<compile_context>
chip_gen: v7x
topology: tpu7x:2x2x1
jax: 0.10.2.dev20260603
libtpu: 0.0.44.dev20260713+nightly
codegen_flags: <defaults>
</compile_context>

<pallas_src>
import functools

import jax
import jax.numpy as jnp
from jax import lax
from jax.experimental import pallas as pl
from jax.experimental.pallas import tpu as pltpu
from jax.experimental.pallas import tpu_sc as plsc

N, D, H, B = 50000, 512, 128, 64
R = 2000
K = N // R
KP = 128
_LANES = 16


def _tc_body(k0, nk, x_ref, seg_ref, w1_ref, b1_ref, w2_ref, p_ref, t_ref):
    k = pl.program_id(0)
    xb = x_ref[...].astype(jnp.bfloat16)
    h = jnp.tanh(jnp.dot(xb, w1_ref[...].astype(jnp.bfloat16),
                         preferred_element_type=jnp.float32) + b1_ref[...])
    s = jnp.sum(h * w2_ref[...], axis=1)
    seg = seg_ref[0, 0, :]
    e = jnp.exp(s)
    ohb = (seg[:, None] ==
           lax.broadcasted_iota(jnp.int32, (R, B), 1)).astype(jnp.bfloat16)
    ematb = ohb * e.astype(jnp.bfloat16)[:, None]
    p = lax.dot_general(ematb, xb, (((0,), (0,)), ((), ())),
                        preferred_element_type=jnp.float32)
    t_kb = jnp.sum(ematb.astype(jnp.float32), axis=0)

    p_ref[0] = p
    lane = lax.broadcasted_iota(jnp.int32, (B, KP), 1)

    @pl.when(k == 0)
    def _():
        t_ref[...] = jnp.zeros((B, KP), jnp.float32)

    t_ref[...] = jnp.where(lane == k, t_kb[:, None], t_ref[...])


K1 = 20
K2 = K - K1


def _make_tc_partials(k0, nk):
    def call(x, seg, w1, b1r, w2r):
        return pl.pallas_call(
            functools.partial(_tc_body, k0, nk),
            grid=(nk,),
            in_specs=[
                pl.BlockSpec((R, D), lambda k: (k + k0, 0)),
                pl.BlockSpec((1, 1, R), lambda k: (k + k0, 0, 0)),
                pl.BlockSpec((D, H), lambda k: (0, 0)),
                pl.BlockSpec((1, H), lambda k: (0, 0)),
                pl.BlockSpec((1, H), lambda k: (0, 0)),
            ],
            out_specs=[
                pl.BlockSpec((1, B, D), lambda k: (k, 0, 0)),
                pl.BlockSpec((B, KP), lambda k: (0, 0)),
            ],
            out_shape=[
                jax.ShapeDtypeStruct((nk, B, D), jnp.float32),
                jax.ShapeDtypeStruct((B, KP), jnp.float32),
            ],
        )(x, seg, w1, b1r, w2r)
    return call


_tc_partials_a = _make_tc_partials(0, K1)
_tc_partials_b = _make_tc_partials(K1, K2)


def _vsum_scalar(v):
    s = v[0]
    for i in range(1, _LANES):
        s = s + v[i]
    return s


def _sc_body(p_hbm, t_hbm, s_hbm, d_hbm, pbuf0, pbuf1, trow, accbuf, dbuf,
             sem):
    wid = lax.axis_index("c") * 16 + lax.axis_index("s")
    b0 = wid * 2
    cps = [
        pltpu.async_copy(t_hbm.at[pl.ds(b0, 2)], trow, sem),
        pltpu.async_copy(p_hbm.at[:, pl.ds(b0, 1), :], pbuf0, sem),
        pltpu.async_copy(p_hbm.at[:, pl.ds(b0 + 1, 1), :], pbuf1, sem),
    ]
    for cp in cps:
        cp.wait()
    for j, pb in ((0, pbuf0), (1, pbuf1)):
        dv = jnp.zeros((_LANES,), jnp.float32)
        for c in range(KP // _LANES):
            dv = dv + trow[j, pl.ds(c * _LANES, _LANES)]
        denom = _vsum_scalar(dv)
        dbuf[...] = jnp.broadcast_to(denom, (_LANES,))
        pltpu.sync_copy(dbuf, d_hbm.at[b0 + j])

        def body(kk, carry):
            return tuple(
                carry[c] + pb[kk, 0, pl.ds(c * _LANES, _LANES)]
                for c in range(D // _LANES))

        acc0 = tuple(jnp.zeros((_LANES,), jnp.float32)
                     for _ in range(D // _LANES))
        acc = lax.fori_loop(0, K1, body, acc0)
        for c in range(D // _LANES):
            accbuf[pl.ds(c * _LANES, _LANES)] = acc[c]
        pltpu.sync_copy(accbuf, s_hbm.at[b0 + j])


@jax.jit
def _sc_combine(p, ts):
    mesh = plsc.VectorSubcoreMesh(core_axis_name="c", subcore_axis_name="s")
    return pl.kernel(
        _sc_body,
        mesh=mesh,
        out_type=[
            jax.ShapeDtypeStruct((B, D), jnp.float32),
            jax.ShapeDtypeStruct((B, _LANES), jnp.float32),
        ],
        scratch_types=[
            pltpu.VMEM((K1, 1, D), jnp.float32),
            pltpu.VMEM((K1, 1, D), jnp.float32),
            pltpu.VMEM((2, KP), jnp.float32),
            pltpu.VMEM((D,), jnp.float32),
            pltpu.VMEM((_LANES,), jnp.float32),
            pltpu.SemaphoreType.DMA,
        ],
    )(p, ts)


def _fin_body(p2_ref, t2_ref, s_ref, d_ref, o_ref):
    acc = s_ref[...]
    for k in range(K2):
        acc = acc + p2_ref[k]
    den = d_ref[:, 0:1] + jnp.sum(t2_ref[...], axis=1, keepdims=True)
    o_ref[...] = jnp.where(den > 0.0, acc / den, 0.0)


@jax.jit
def _tc_finish(p2, t2, s, d):
    return pl.pallas_call(
        _fin_body,
        out_shape=jax.ShapeDtypeStruct((B, D), jnp.float32),
    )(p2, t2, s, d)


def kernel(x, batch, W1, b1, W2, b2):
    seg = batch.astype(jnp.int32).reshape(K, 1, R)
    b1r = b1.reshape(1, H)
    w2r = W2.reshape(1, H)
    p1, t1 = _tc_partials_a(x, seg, W1, b1r, w2r)
    s, d = _sc_combine(p1, t1)
    p2, t2 = _tc_partials_b(x, seg, W1, b1r, w2r)
    return _tc_finish(p2, t2, s, d)

# --- scband reference (transcript-rebuilt; emitter-appended) ---
"""Pipeline reference for scband-attention-pooling-65841848648265 (READ-ONLY COPY).

The authoritative reference and input builder live on the scoring server;
editing this copy changes nothing except your own understanding.
"""

import jax, jax.numpy as jnp
import numpy as np

N, D, H, B = 50000, 512, 128, 64

def setup_inputs(seed: int = 0) -> dict:
    key = jax.random.key(seed)
    k1, k2, k3, k4 = jax.random.split(key, 4)
    x = jax.random.normal(k1, (N, D), dtype=jnp.float32)
    batch = jnp.sort(jax.random.randint(k2, (N,), 0, B)).astype(jnp.int64)
    W1 = jax.random.normal(k3, (D, H), dtype=jnp.float32) * (1.0 / np.sqrt(D))
    b1 = jnp.zeros((H,), dtype=jnp.float32)
    W2 = jax.random.normal(k4, (H, 1), dtype=jnp.float32) * (1.0 / np.sqrt(H))
    b2 = jnp.zeros((1,), dtype=jnp.float32)
    return {"x": x, "batch": batch, "W1": W1, "b1": b1, "W2": W2, "b2": b2}

def reference(x, batch, W1, b1, W2, b2):
    # attention MLP: Linear -> Tanh -> Linear
    h = jnp.tanh(x @ W1 + b1)
    scores = (h @ W2 + b2)[:, 0]  # [N]
    # per-graph softmax over nodes (segment softmax), numerically stable
    seg_max = jax.lax.stop_gradient(jax.ops.segment_max(scores, batch, num_segments=B))
    e = jnp.exp(scores - seg_max[batch])
    denom = jax.ops.segment_sum(e, batch, num_segments=B)
    w = e / denom[batch]
    # weighted sum of node features per graph
    pooled = jax.ops.segment_sum(x * w[:, None], batch, num_segments=B)
    return pooled

if __name__ == "__main__":
    import jax
    _d = setup_inputs()
    print(jax.jit(kernel)(*tuple(_d.values())))

</pallas_src>

<mosaic_0001>
#map = affine_map<(d0, d1) -> (0, 0, 0)>
#map1 = affine_map<(d0, d1) -> (0, 0)>
module attributes {stable_mosaic.version = 14 : i64} {
  func.func @_sc_body(%arg0: i32, %arg1: i32, %arg2: memref<20x64x512xf32, #tpu.memory_space<hbm>>, %arg3: memref<64x128xf32, #tpu.memory_space<hbm>>, %arg4: memref<64x512xf32, #tpu.memory_space<hbm>>, %arg5: memref<64x16xf32, #tpu.memory_space<hbm>>, %arg6: memref<20x1x512xf32, #tpu.memory_space<vmem>>, %arg7: memref<20x1x512xf32, #tpu.memory_space<vmem>>, %arg8: memref<2x128xf32, #tpu.memory_space<vmem>>, %arg9: memref<512xf32, #tpu.memory_space<vmem>>, %arg10: memref<16xf32, #tpu.memory_space<vmem>>, %arg11: memref<!tpu.dma_semaphore, #tpu.memory_space<semaphore_mem>>) attributes {dimension_semantics = [#tpu.dimension_semantics<core_parallel>, #tpu.dimension_semantics<subcore_parallel>], iteration_bounds = array<i64: 2, 16>, scalar_prefetch = 0 : i64, scratch_operands = 6 : i64, tpu.core_type = #tpu.core_type<sc_vector_subcore>, window_params = [{transform_indices = #map}, {transform_indices = #map1}, {transform_indices = #map1}, {transform_indices = #map1}]} {
    %mul3A = arith.constant 16 : i32
    %mul3A_0 = arith.muli %arg0, %mul3A : i32
    %add3A = arith.addi %mul3A_0, %arg1 : i32
    %mul3A_1 = arith.constant 2 : i32
    %mul3A_2 = arith.muli %add3A, %mul3A_1 : i32
    %dma_start3A = arith.constant 0 : i32
    %dma_start3A_3 = tpu.memref_slice %arg3[%mul3A_2, %dma_start3A] : memref<64x128xf32, #tpu.memory_space<hbm>> -> memref<2x128xf32, #tpu.memory_space<hbm>>
    %dma_start3A_4 = arith.constant 0 : i32
    %dma_start3A_5 = tpu.memref_slice %arg3[%mul3A_2, %dma_start3A_4] : memref<64x128xf32, #tpu.memory_space<hbm>> -> memref<2x128xf32, #tpu.memory_space<hbm>>
    tpu.enqueue_dma source(%dma_start3A_5 : memref<2x128xf32, #tpu.memory_space<hbm>>) target(%arg8 : memref<2x128xf32, #tpu.memory_space<vmem>>) target_semaphore(%arg11 : memref<!tpu.dma_semaphore, #tpu.memory_space<semaphore_mem>>)
    %dma_start3A_6 = arith.constant 0 : i32
    %dma_start3A_7 = arith.constant 0 : i32
    %dma_start3A_8 = tpu.memref_slice %arg2[%dma_start3A_6, %mul3A_2, %dma_start3A_7] : memref<20x64x512xf32, #tpu.memory_space<hbm>> -> memref<20x1x512xf32, #tpu.memory_space<hbm>>
    %dma_start3A_9 = arith.constant 0 : i32
    %dma_start3A_10 = arith.constant 0 : i32
    %dma_start3A_11 = tpu.memref_slice %arg2[%dma_start3A_9, %mul3A_2, %dma_start3A_10] : memref<20x64x512xf32, #tpu.memory_space<hbm>> -> memref<20x1x512xf32, #tpu.memory_space<hbm>>
    tpu.enqueue_dma source(%dma_start3A_11 : memref<20x1x512xf32, #tpu.memory_space<hbm>>) target(%arg6 : memref<20x1x512xf32, #tpu.memory_space<vmem>>) target_semaphore(%arg11 : memref<!tpu.dma_semaphore, #tpu.memory_space<semaphore_mem>>)
    %add3A_12 = arith.constant 1 : i32
    %add3A_13 = arith.addi %mul3A_2, %add3A_12 : i32
    %dma_start3A_14 = arith.constant 0 : i32
    %dma_start3A_15 = arith.constant 0 : i32
    %dma_start3A_16 = tpu.memref_slice %arg2[%dma_start3A_14, %add3A_13, %dma_start3A_15] : memref<20x64x512xf32, #tpu.memory_space<hbm>> -> memref<20x1x512xf32, #tpu.memory_space<hbm>>
    %dma_start3A_17 = arith.constant 0 : i32
    %dma_start3A_18 = arith.constant 0 : i32
    %dma_start3A_19 = tpu.memref_slice %arg2[%dma_start3A_17, %add3A_13, %dma_start3A_18] : memref<20x64x512xf32, #tpu.memory_space<hbm>> -> memref<20x1x512xf32, #tpu.memory_space<hbm>>
    tpu.enqueue_dma source(%dma_start3A_19 : memref<20x1x512xf32, #tpu.memory_space<hbm>>) target(%arg7 : memref<20x1x512xf32, #tpu.memory_space<vmem>>) target_semaphore(%arg11 : memref<!tpu.dma_semaphore, #tpu.memory_space<semaphore_mem>>)
    %dma_wait3A = arith.constant 0 : i32
    %dma_wait3A_20 = tpu.memref_slice %arg3[%mul3A_2, %dma_wait3A] : memref<64x128xf32, #tpu.memory_space<hbm>> -> memref<2x128xf32, #tpu.memory_space<hbm>>
    %dma_wait3A_21 = arith.constant 0 : i32
    %dma_wait3A_22 = tpu.memref_slice %arg3[%mul3A_2, %dma_wait3A_21] : memref<64x128xf32, #tpu.memory_space<hbm>> -> memref<2x128xf32, #tpu.memory_space<hbm>>
    tpu.wait_dma2 semaphore(%arg11 : memref<!tpu.dma_semaphore, #tpu.memory_space<semaphore_mem>>) src(%dma_wait3A_22 : memref<2x128xf32, #tpu.memory_space<hbm>>) dst(%arg8 : memref<2x128xf32, #tpu.memory_space<vmem>>)
    %dma_wait3A_23 = arith.constant 0 : i32
    %dma_wait3A_24 = arith.constant 0 : i32
    %dma_wait3A_25 = tpu.memref_slice %arg2[%dma_wait3A_23, %mul3A_2, %dma_wait3A_24] : memref<20x64x512xf32, #tpu.memory_space<hbm>> -> memref<20x1x512xf32, #tpu.memory_space<hbm>>
    %dma_wait3A_26 = arith.constant 0 : i32
    %dma_wait3A_27 = arith.constant 0 : i32
    %dma_wait3A_28 = tpu.memref_slice %arg2[%dma_wait3A_26, %mul3A_2, %dma_wait3A_27] : memref<20x64x512xf32, #tpu.memory_space<hbm>> -> memref<20x1x512xf32, #tpu.memory_space<hbm>>
    tpu.wait_dma2 semaphore(%arg11 : memref<!tpu.dma_semaphore, #tpu.memory_space<semaphore_mem>>) src(%dma_wait3A_28 : memref<20x1x512xf32, #tpu.memory_space<hbm>>) dst(%arg6 : memref<20x1x512xf32, #tpu.memory_space<vmem>>)
    %dma_wait3A_29 = arith.constant 0 : i32
    %dma_wait3A_30 = arith.constant 0 : i32
    %dma_wait3A_31 = tpu.memref_slice %arg2[%dma_wait3A_29, %add3A_13, %dma_wait3A_30] : memref<20x64x512xf32, #tpu.memory_space<hbm>> -> memref<20x1x512xf32, #tpu.memory_space<hbm>>
    %dma_wait3A_32 = arith.constant 0 : i32
    %dma_wait3A_33 = arith.constant 0 : i32
    %dma_wait3A_34 = tpu.memref_slice %arg2[%dma_wait3A_32, %add3A_13, %dma_wait3A_33] : memref<20x64x512xf32, #tpu.memory_space<hbm>> -> memref<20x1x512xf32, #tpu.memory_space<hbm>>
    tpu.wait_dma2 semaphore(%arg11 : memref<!tpu.dma_semaphore, #tpu.memory_space<semaphore_mem>>) src(%dma_wait3A_34 : memref<20x1x512xf32, #tpu.memory_space<hbm>>) dst(%arg7 : memref<20x1x512xf32, #tpu.memory_space<vmem>>)
    %broadcast_in_dim3A = arith.constant 0.000000e+00 : f32
    %broadcast_in_dim3A_35 = vector.broadcast %broadcast_in_dim3A : f32 to vector<16xf32>
    %get3A = arith.constant 0 : i32
    %get3A_36 = arith.index_cast %get3A : i32 to index
    %get3A_37 = arith.constant 0 : index
    %get3A_38 = tpu.vector_load %arg8[%get3A_36, %get3A_37] {strides = array<i32>} : memref<2x128xf32, #tpu.memory_space<vmem>>, vector<1x16xf32>,
    %get3A_39 = vector.shape_cast %get3A_38 : vector<1x16xf32> to vector<16xf32>
    %add3A_40 = arith.addf %broadcast_in_dim3A_35, %get3A_39 : vector<16xf32>
    %get3A_41 = arith.constant 0 : i32
    %get3A_42 = arith.index_cast %get3A_41 : i32 to index
    %get3A_43 = arith.constant 16 : index
    %get3A_44 = tpu.vector_load %arg8[%get3A_42, %get3A_43] {strides = array<i32>} : memref<2x128xf32, #tpu.memory_space<vmem>>, vector<1x16xf32>,
    %get3A_45 = vector.shape_cast %get3A_44 : vector<1x16xf32> to vector<16xf32>
    %add3A_46 = arith.addf %add3A_40, %get3A_45 : vector<16xf32>
    %get3A_47 = arith.constant 0 : i32
    %get3A_48 = arith.index_cast %get3A_47 : i32 to index
    %get3A_49 = arith.constant 32 : index
    %get3A_50 = tpu.vector_load %arg8[%get3A_48, %get3A_49] {strides = array<i32>} : memref<2x128xf32, #tpu.memory_space<vmem>>, vector<1x16xf32>,
    %get3A_51 = vector.shape_cast %get3A_50 : vector<1x16xf32> to vector<16xf32>
    %add3A_52 = arith.addf %add3A_46, %get3A_51 : vector<16xf32>
    %get3A_53 = arith.constant 0 : i32
    %get3A_54 = arith.index_cast %get3A_53 : i32 to index
    %get3A_55 = arith.constant 48 : index
    %get3A_56 = tpu.vector_load %arg8[%get3A_54, %get3A_55] {strides = array<i32>} : memref<2x128xf32, #tpu.memory_space<vmem>>, vector<1x16xf32>,
    %get3A_57 = vector.shape_cast %get3A_56 : vector<1x16xf32> to vector<16xf32>
    %add3A_58 = arith.addf %add3A_52, %get3A_57 : vector<16xf32>
    %get3A_59 = arith.constant 0 : i32
    %get3A_60 = arith.index_cast %get3A_59 : i32 to index
    %get3A_61 = arith.constant 64 : index
    %get3A_62 = tpu.vector_load %arg8[%get3A_60, %get3A_61] {strides = array<i32>} : memref<2x128xf32, #tpu.memory_space<vmem>>, vector<1x16xf32>,
    %get3A_63 = vector.shape_cast %get3A_62 : vector<1x16xf32> to vector<16xf32>
    %add3A_64 = arith.addf %add3A_58, %get3A_63 : vector<16xf32>
    %get3A_65 = arith.constant 0 : i32
    %get3A_66 = arith.index_cast %get3A_65 : i32 to index
    %get3A_67 = arith.constant 80 : index
    %get3A_68 = tpu.vector_load %arg8[%get3A_66, %get3A_67] {strides = array<i32>} : memref<2x128xf32, #tpu.memory_space<vmem>>, vector<1x16xf32>,
    %get3A_69 = vector.shape_cast %get3A_68 : vector<1x16xf32> to vector<16xf32>
    %add3A_70 = arith.addf %add3A_64, %get3A_69 : vector<16xf32>
    %get3A_71 = arith.constant 0 : i32
    %get3A_72 = arith.index_cast %get3A_71 : i32 to index
    %get3A_73 = arith.constant 96 : index
    %get3A_74 = tpu.vector_load %arg8[%get3A_72, %get3A_73] {strides = array<i32>} : memref<2x128xf32, #tpu.memory_space<vmem>>, vector<1x16xf32>,
    %get3A_75 = vector.shape_cast %get3A_74 : vector<1x16xf32> to vector<16xf32>
    %add3A_76 = arith.addf %add3A_70, %get3A_75 : vector<16xf32>
    %get3A_77 = arith.constant 0 : i32
    %get3A_78 = arith.index_cast %get3A_77 : i32 to index
    %get3A_79 = arith.constant 112 : index
    %get3A_80 = tpu.vector_load %arg8[%get3A_78, %get3A_79] {strides = array<i32>} : memref<2x128xf32, #tpu.memory_space<vmem>>, vector<1x16xf32>,
    %get3A_81 = vector.shape_cast %get3A_80 : vector<1x16xf32> to vector<16xf32>
    %add3A_82 = arith.addf %add3A_76, %get3A_81 : vector<16xf32>
    %slice3A = vector.extract_strided_slice %add3A_82 {offsets = [0], sizes = [1], strides = [1]} : vector<16xf32> to vector<1xf32>
    %squeeze3A = vector.extract %slice3A[0] : f32 from vector<1xf32>
    %slice3A_83 = vector.extract_strided_slice %add3A_82 {offsets = [1], sizes = [1], strides = [1]} : vector<16xf32> to vector<1xf32>
    %squeeze3A_84 = vector.extract %slice3A_83[0] : f32 from vector<1xf32>
    %add3A_85 = arith.addf %squeeze3A, %squeeze3A_84 : f32
    %slice3A_86 = vector.extract_strided_slice %add3A_82 {offsets = [2], sizes = [1], strides = [1]} : vector<16xf32> to vector<1xf32>
    %squeeze3A_87 = vector.extract %slice3A_86[0] : f32 from vector<1xf32>
    %add3A_88 = arith.addf %add3A_85, %squeeze3A_87 : f32
    %slice3A_89 = vector.extract_strided_slice %add3A_82 {offsets = [3], sizes = [1], strides = [1]} : vector<16xf32> to vector<1xf32>
    %squeeze3A_90 = vector.extract %slice3A_89[0] : f32 from vector<1xf32>
    %add3A_91 = arith.addf %add3A_88, %squeeze3A_90 : f32
    %slice3A_92 = vector.extract_strided_slice %add3A_82 {offsets = [4], sizes = [1], strides = [1]} : vector<16xf32> to vector<1xf32>
    %squeeze3A_93 = vector.extract %slice3A_92[0] : f32 from vector<1xf32>
    %add3A_94 = arith.addf %add3A_91, %squeeze3A_93 : f32
    %slice3A_95 = vector.extract_strided_slice %add3A_82 {offsets = [5], sizes = [1], strides = [1]} : vector<16xf32> to vector<1xf32>
    %squeeze3A_96 = vector.extract %slice3A_95[0] : f32 from vector<1xf32>
    %add3A_97 = arith.addf %add3A_94, %squeeze3A_96 : f32
    %slice3A_98 = vector.extract_strided_slice %add3A_82 {offsets = [6], sizes = [1], strides = [1]} : vector<16xf32> to vector<1xf32>
    %squeeze3A_99 = vector.extract %slice3A_98[0] : f32 from vector<1xf32>
    %add3A_100 = arith.addf %add3A_97, %squeeze3A_99 : f32
    %slice3A_101 = vector.extract_strided_slice %add3A_82 {offsets = [7], sizes = [1], strides = [1]} : vector<16xf32> to vector<1xf32>
    %squeeze3A_102 = vector.extract %slice3A_101[0] : f32 from vector<1xf32>
    %add3A_103 = arith.addf %add3A_100, %squeeze3A_102 : f32
    %slice3A_104 = vector.extract_strided_slice %add3A_82 {offsets = [8], sizes = [1], strides = [1]} : vector<16xf32> to vector<1xf32>
    %squeeze3A_105 = vector.extract %slice3A_104[0] : f32 from vector<1xf32>
    %add3A_106 = arith.addf %add3A_103, %squeeze3A_105 : f32
    %slice3A_107 = vector.extract_strided_slice %add3A_82 {offsets = [9], sizes = [1], strides = [1]} : vector<16xf32> to vector<1xf32>
    %squeeze3A_108 = vector.extract %slice3A_107[0] : f32 from vector<1xf32>
    %add3A_109 = arith.addf %add3A_106, %squeeze3A_108 : f32
    %slice3A_110 = vector.extract_strided_slice %add3A_82 {offsets = [10], sizes = [1], strides = [1]} : vector<16xf32> to vector<1xf32>
    %squeeze3A_111 = vector.extract %slice3A_110[0] : f32 from vector<1xf32>
    %add3A_112 = arith.addf %add3A_109, %squeeze3A_111 : f32
    %slice3A_113 = vector.extract_strided_slice %add3A_82 {offsets = [11], sizes = [1], strides = [1]} : vector<16xf32> to vector<1xf32>
    %squeeze3A_114 = vector.extract %slice3A_113[0] : f32 from vector<1xf32>
    %add3A_115 = arith.addf %add3A_112, %squeeze3A_114 : f32
    %slice3A_116 = vector.extract_strided_slice %add3A_82 {offsets = [12], sizes = [1], strides = [1]} : vector<16xf32> to vector<1xf32>
    %squeeze3A_117 = vector.extract %slice3A_116[0] : f32 from vector<1xf32>
    %add3A_118 = arith.addf %add3A_115, %squeeze3A_117 : f32
    %slice3A_119 = vector.extract_strided_slice %add3A_82 {offsets = [13], sizes = [1], strides = [1]} : vector<16xf32> to vector<1xf32>
    %squeeze3A_120 = vector.extract %slice3A_119[0] : f32 from vector<1xf32>
    %add3A_121 = arith.addf %add3A_118, %squeeze3A_120 : f32
    %slice3A_122 = vector.extract_strided_slice %add3A_82 {offsets = [14], sizes = [1], strides = [1]} : vector<16xf32> to vector<1xf32>
    %squeeze3A_123 = vector.extract %slice3A_122[0] : f32 from vector<1xf32>
    %add3A_124 = arith.addf %add3A_121, %squeeze3A_123 : f32
    %slice3A_125 = vector.extract_strided_slice %add3A_82 {offsets = [15], sizes = [1], strides = [1]} : vector<16xf32> to vector<1xf32>
    %squeeze3A_126 = vector.extract %slice3A_125[0] : f32 from vector<1xf32>
    %add3A_127 = arith.addf %add3A_124, %squeeze3A_126 : f32
    %broadcast_in_dim3A_128 = vector.broadcast %add3A_127 : f32 to vector<16xf32>
    %swap3A = arith.constant 0 : index
    %swap3A_129 = tpu.vector_load %arg10[%swap3A] {strides = array<i32>} : memref<16xf32, #tpu.memory_space<vmem>>, vector<16xf32>,
    %swap3A_130 = vector.shape_cast %swap3A_129 : vector<16xf32> to vector<16xf32>
    %swap3A_131 = vector.shape_cast %broadcast_in_dim3A_128 : vector<16xf32> to vector<16xf32>
    tpu.vector_store %arg10[%swap3A], %swap3A_131 {strides = array<i32>} : memref<16xf32, #tpu.memory_space<vmem>>, vector<16xf32>,
    %add3A_132 = arith.constant 0 : i32
    %add3A_133 = arith.addi %mul3A_2, %add3A_132 : i32
    "tpu.region"() ({
      %run_scoped3A = tpu.sem_alloc : memref<!tpu.dma_semaphore, #tpu.memory_space<semaphore_mem>>
      %dma_start3A_637 = arith.constant 0 : i32
      %dma_start3A_638 = tpu.memref_slice %arg5[%add3A_133, %dma_start3A_637] : memref<64x16xf32, #tpu.memory_space<hbm>> -> memref<1x16xf32, #tpu.memory_space<hbm>>
      %dma_start3A_639 = tpu.memref_squeeze %dma_start3A_638 : memref<1x16xf32, #tpu.memory_space<hbm>> -> memref<16xf32, #tpu.memory_space<hbm>>
      %dma_start3A_640 = arith.constant 0 : i32
      %dma_start3A_641 = tpu.memref_slice %arg5[%add3A_133, %dma_start3A_640] : memref<64x16xf32, #tpu.memory_space<hbm>> -> memref<1x16xf32, #tpu.memory_space<hbm>>
      %dma_start3A_642 = tpu.memref_squeeze %dma_start3A_641 : memref<1x16xf32, #tpu.memory_space<hbm>> -> memref<16xf32, #tpu.memory_space<hbm>>
      tpu.enqueue_dma source(%arg10 : memref<16xf32, #tpu.memory_space<vmem>>) target(%dma_start3A_642 : memref<16xf32, #tpu.memory_space<hbm>>) target_semaphore(%run_scoped3A : memref<!tpu.dma_semaphore, #tpu.memory_space<semaphore_mem>>)
      %dma_wait3A_643 = arith.constant 0 : i32
      %dma_wait3A_644 = tpu.memref_slice %arg5[%add3A_133, %dma_wait3A_643] : memref<64x16xf32, #tpu.memory_space<hbm>> -> memref<1x16xf32, #tpu.memory_space<hbm>>
      %dma_wait3A_645 = tpu.memref_squeeze %dma_wait3A_644 : memref<1x16xf32, #tpu.memory_space<hbm>> -> memref<16xf32, #tpu.memory_space<hbm>>
      %dma_wait3A_646 = arith.constant 0 : i32
      %dma_wait3A_647 = tpu.memref_slice %arg5[%add3A_133, %dma_wait3A_646] : memref<64x16xf32, #tpu.memory_space<hbm>> -> memref<1x16xf32, #tpu.memory_space<hbm>>
      %dma_wait3A_648 = tpu.memref_squeeze %dma_wait3A_647 : memref<1x16xf32, #tpu.memory_space<hbm>> -> memref<16xf32, #tpu.memory_space<hbm>>
      tpu.wait_dma2 semaphore(%run_scoped3A : memref<!tpu.dma_semaphore, #tpu.memory_space<semaphore_mem>>) src(%arg10 : memref<16xf32, #tpu.memory_space<vmem>>) dst(%dma_wait3A_648 : memref<16xf32, #tpu.memory_space<hbm>>)
      tpu.yield
    }) : () -> ()
    %broadcast_in_dim3A_134 = arith.constant 0.000000e+00 : f32
    %broadcast_in_dim3A_135 = vector.broadcast %broadcast_in_dim3A_134 : f32 to vector<16xf32>
    %broadcast_in_dim3A_136 = arith.constant 0.000000e+00 : f32
    %broadcast_in_dim3A_137 = vector.broadcast %broadcast_in_dim3A_136 : f32 to vector<16xf32>
    %broadcast_in_dim3A_138 = arith.constant 0.000000e+00 : f32
    %broadcast_in_dim3A_139 = vector.broadcast %broadcast_in_dim3A_138 : f32 to vector<16xf32>
    %broadcast_in_dim3A_140 = arith.constant 0.000000e+00 : f32
    %broadcast_in_dim3A_141 = vector.broadcast %broadcast_in_dim3A_140 : f32 to vector<16xf32>
    %broadcast_in_dim3A_142 = arith.constant 0.000000e+00 : f32
    %broadcast_in_dim3A_143 = vector.broadcast %broadcast_in_dim3A_142 : f32 to vector<16xf32>
    %broadcast_in_dim3A_144 = arith.constant 0.000000e+00 : f32
    %broadcast_in_dim3A_145 = vector.broadcast %broadcast_in_dim3A_144 : f32 to vector<16xf32>
    %broadcast_in_dim3A_146 = arith.constant 0.000000e+00 : f32
    %broadcast_in_dim3A_147 = vector.broadcast %broadcast_in_dim3A_146 : f32 to vector<16xf32>
    %broadcast_in_dim3A_148 = arith.constant 0.000000e+00 : f32
    %broadcast_in_dim3A_149 = vector.broadcast %broadcast_in_dim3A_148 : f32 to vector<16xf32>
    %broadcast_in_dim3A_150 = arith.constant 0.000000e+00 : f32
    %broadcast_in_dim3A_151 = vector.broadcast %broadcast_in_dim3A_150 : f32 to vector<16xf32>
    %broadcast_in_dim3A_152 = arith.constant 0.000000e+00 : f32
    %broadcast_in_dim3A_153 = vector.broadcast %broadcast_in_dim3A_152 : f32 to vector<16xf32>
    %broadcast_in_dim3A_154 = arith.constant 0.000000e+00 : f32
    %broadcast_in_dim3A_155 = vector.broadcast %broadcast_in_dim3A_154 : f32 to vector<16xf32>
    %broadcast_in_dim3A_156 = arith.constant 0.000000e+00 : f32
    %broadcast_in_dim3A_157 = vector.broadcast %broadcast_in_dim3A_156 : f32 to vector<16xf32>
    %broadcast_in_dim3A_158 = arith.constant 0.000000e+00 : f32
    %broadcast_in_dim3A_159 = vector.broadcast %broadcast_in_dim3A_158 : f32 to vector<16xf32>
    %broadcast_in_dim3A_160 = arith.constant 0.000000e+00 : f32
    %broadcast_in_dim3A_161 = vector.broadcast %broadcast_in_dim3A_160 : f32 to vector<16xf32>
    %broadcast_in_dim3A_162 = arith.constant 0.000000e+00 : f32
    %broadcast_in_dim3A_163 = vector.broadcast %broadcast_in_dim3A_162 : f32 to vector<16xf32>
    %broadcast_in_dim3A_164 = arith.constant 0.000000e+00 : f32
    %broadcast_in_dim3A_165 = vector.broadcast %broadcast_in_dim3A_164 : f32 to vector<16xf32>
    %broadcast_in_dim3A_166 = arith.constant 0.000000e+00 : f32
    %broadcast_in_dim3A_167 = vector.broadcast %broadcast_in_dim3A_166 : f32 to vector<16xf32>
    %broadcast_in_dim3A_168 = arith.constant 0.000000e+00 : f32
    %broadcast_in_dim3A_169 = vector.broadcast %broadcast_in_dim3A_168 : f32 to vector<16xf32>
    %broadcast_in_dim3A_170 = arith.constant 0.000000e+00 : f32
    %broadcast_in_dim3A_171 = vector.broadcast %broadcast_in_dim3A_170 : f32 to vector<16xf32>
    %broadcast_in_dim3A_172 = arith.constant 0.000000e+00 : f32
    %broadcast_in_dim3A_173 = vector.broadcast %broadcast_in_dim3A_172 : f32 to vector<16xf32>
    %broadcast_in_dim3A_174 = arith.constant 0.000000e+00 : f32
    %broadcast_in_dim3A_175 = vector.broadcast %broadcast_in_dim3A_174 : f32 to vector<16xf32>
    %broadcast_in_dim3A_176 = arith.constant 0.000000e+00 : f32
    %broadcast_in_dim3A_177 = vector.broadcast %broadcast_in_dim3A_176 : f32 to vector<16xf32>
    %broadcast_in_dim3A_178 = arith.constant 0.000000e+00 : f32
    %broadcast_in_dim3A_179 = vector.broadcast %broadcast_in_dim3A_178 : f32 to vector<16xf32>
    %broadcast_in_dim3A_180 = arith.constant 0.000000e+00 : f32
    %broadcast_in_dim3A_181 = vector.broadcast %broadcast_in_dim3A_180 : f32 to vector<16xf32>
    %broadcast_in_dim3A_182 = arith.constant 0.000000e+00 : f32
    %broadcast_in_dim3A_183 = vector.broadcast %broadcast_in_dim3A_182 : f32 to vector<16xf32>
    %broadcast_in_dim3A_184 = arith.constant 0.000000e+00 : f32
    %broadcast_in_dim3A_185 = vector.broadcast %broadcast_in_dim3A_184 : f32 to vector<16xf32>
    %broadcast_in_dim3A_186 = arith.constant 0.000000e+00 : f32
    %broadcast_in_dim3A_187 = vector.broadcast %broadcast_in_dim3A_186 : f32 to vector<16xf32>
    %broadcast_in_dim3A_188 = arith.constant 0.000000e+00 : f32
    %broadcast_in_dim3A_189 = vector.broadcast %broadcast_in_dim3A_188 : f32 to vector<16xf32>
    %broadcast_in_dim3A_190 = arith.constant 0.000000e+00 : f32
    %broadcast_in_dim3A_191 = vector.broadcast %broadcast_in_dim3A_190 : f32 to vector<16xf32>
    %broadcast_in_dim3A_192 = arith.constant 0.000000e+00 : f32
    %broadcast_in_dim3A_193 = vector.broadcast %broadcast_in_dim3A_192 : f32 to vector<16xf32>
    %broadcast_in_dim3A_194 = arith.constant 0.000000e+00 : f32
    %broadcast_in_dim3A_195 = vector.broadcast %broadcast_in_dim3A_194 : f32 to vector<16xf32>
    %broadcast_in_dim3A_196 = arith.constant 0.000000e+00 : f32
    %broadcast_in_dim3A_197 = vector.broadcast %broadcast_in_dim3A_196 : f32 to vector<16xf32>
    %scan3A = arith.constant 0 : i32
    %scan3A_198 = arith.constant 20 : i32
    %scan3A_199 = arith.addi %scan3A, %scan3A_198 : i32
    %scan3A_200 = arith.constant 1 : i32
    %scan3A_201:32 = scf.for %scan3A_637 = %scan3A to %scan3A_199 step %scan3A_200 iter_args(%scan3A_638 = %broadcast_in_dim3A_135, %scan3A_639 = %broadcast_in_dim3A_137, %scan3A_640 = %broadcast_in_dim3A_139, %scan3A_641 = %broadcast_in_dim3A_141, %scan3A_642 = %broadcast_in_dim3A_143, %scan3A_643 = %broadcast_in_dim3A_145, %scan3A_644 = %broadcast_in_dim3A_147, %scan3A_645 = %broadcast_in_dim3A_149, %scan3A_646 = %broadcast_in_dim3A_151, %scan3A_647 = %broadcast_in_dim3A_153, %scan3A_648 = %broadcast_in_dim3A_155, %scan3A_649 = %broadcast_in_dim3A_157, %scan3A_650 = %broadcast_in_dim3A_159, %scan3A_651 = %broadcast_in_dim3A_161, %scan3A_652 = %broadcast_in_dim3A_163, %scan3A_653 = %broadcast_in_dim3A_165, %scan3A_654 = %broadcast_in_dim3A_167, %scan3A_655 = %broadcast_in_dim3A_169, %scan3A_656 = %broadcast_in_dim3A_171, %scan3A_657 = %broadcast_in_dim3A_173, %scan3A_658 = %broadcast_in_dim3A_175, %scan3A_659 = %broadcast_in_dim3A_177, %scan3A_660 = %broadcast_in_dim3A_179, %scan3A_661 = %broadcast_in_dim3A_181, %scan3A_662 = %broadcast_in_dim3A_183, %scan3A_663 = %broadcast_in_dim3A_185, %scan3A_664 = %broadcast_in_dim3A_187, %scan3A_665 = %broadcast_in_dim3A_189, %scan3A_666 = %broadcast_in_dim3A_191, %scan3A_667 = %broadcast_in_dim3A_193, %scan3A_668 = %broadcast_in_dim3A_195, %scan3A_669 = %broadcast_in_dim3A_197) -> (vector<16xf32>, vector<16xf32>, vector<16xf32>, vector<16xf32>, vector<16xf32>, vector<16xf32>, vector<16xf32>, vector<16xf32>, vector<16xf32>, vector<16xf32>, vector<16xf32>, vector<16xf32>, vector<16xf32>, vector<16xf32>, vector<16xf32>, vector<16xf32>, vector<16xf32>, vector<16xf32>, vector<16xf32>, vector<16xf32>, vector<16xf32>, vector<16xf32>, vector<16xf32>, vector<16xf32>, vector<16xf32>, vector<16xf32>, vector<16xf32>, vector<16xf32>, vector<16xf32>, vector<16xf32>, vector<16xf32>, vector<16xf32>)  : i32 {
      %get3A_670 = arith.constant 0 : i32
      %get3A_671 = arith.index_cast %scan3A_637 : i32 to index
      %get3A_672 = arith.index_cast %get3A_670 : i32 to index
      %get3A_673 = arith.constant 0 : index
      %get3A_674 = tpu.vector_load %arg6[%get3A_671, %get3A_672, %get3A_673] {strides = array<i32>} : memref<20x1x512xf32, #tpu.memory_space<vmem>>, vector<1x1x16xf32>,
      %get3A_675 = vector.shape_cast %get3A_674 : vector<1x1x16xf32> to vector<16xf32>
      %add3A_676 = arith.addf %scan3A_638, %get3A_675 : vector<16xf32>
      %get3A_677 = arith.constant 0 : i32
      %get3A_678 = arith.index_cast %scan3A_637 : i32 to index
      %get3A_679 = arith.index_cast %get3A_677 : i32 to index
      %get3A_680 = arith.constant 16 : index
      %get3A_681 = tpu.vector_load %arg6[%get3A_678, %get3A_679, %get3A_680] {strides = array<i32>} : memref<20x1x512xf32, #tpu.memory_space<vmem>>, vector<1x1x16xf32>,
      %get3A_682 = vector.shape_cast %get3A_681 : vector<1x1x16xf32> to vector<16xf32>
      %add3A_683 = arith.addf %scan3A_639, %get3A_682 : vector<16xf32>
      %get3A_684 = arith.constant 0 : i32
      %get3A_685 = arith.index_cast %scan3A_637 : i32 to index
      %get3A_686 = arith.index_cast %get3A_684 : i32 to index
      %get3A_687 = arith.constant 32 : index
      %get3A_688 = tpu.vector_load %arg6[%get3A_685, %get3A_686, %get3A_687] {strides = array<i32>} : memref<20x1x512xf32, #tpu.memory_space<vmem>>, vector<1x1x16xf32>,
      %get3A_689 = vector.shape_cast %get3A_688 : vector<1x1x16xf32> to vector<16xf32>
      %add3A_690 = arith.addf %scan3A_640, %get3A_689 : vector<16xf32>
      %get3A_691 = arith.constant 0 : i32
      %get3A_692 = arith.index_cast %scan3A_637 : i32 to index
      %get3A_693 = arith.index_cast %get3A_691 : i32 to index
      %get3A_694 = arith.constant 48 : index
      %get3A_695 = tpu.vector_load %arg6[%get3A_692, %get3A_693, %get3A_694] {strides = array<i32>} : memref<20x1x512xf32, #tpu.memory_space<vmem>>, vector<1x1x16xf32>,
      %get3A_696 = vector.shape_cast %get3A_695 : vector<1x1x16xf32> to vector<16xf32>
      %add3A_697 = arith.addf %scan3A_641, %get3A_696 : vector<16xf32>
      %get3A_698 = arith.constant 0 : i32
      %get3A_699 = arith.index_cast %scan3A_637 : i32 to index
      %get3A_700 = arith.index_cast %get3A_698 : i32 to index
      %get3A_701 = arith.constant 64 : index
      %get3A_702 = tpu.vector_load %arg6[%get3A_699, %get3A_700, %get3A_701] {strides = array<i32>} : memref<20x1x512xf32, #tpu.memory_space<vmem>>, vector<1x1x16xf32>,
      %get3A_703 = vector.shape_cast %get3A_702 : vector<1x1x16xf32> to vector<16xf32>
      %add3A_704 = arith.addf %scan3A_642, %get3A_703 : vector<16xf32>
      %get3A_705 = arith.constant 0 : i32
      %get3A_706 = arith.index_cast %scan3A_637 : i32 to index
      %get3A_707 = arith.index_cast %get3A_705 : i32 to index
      %get3A_708 = arith.constant 80 : index
      %get3A_709 = tpu.vector_load %arg6[%get3A_706, %get3A_707, %get3A_708] {strides = array<i32>} : memref<20x1x512xf32, #tpu.memory_space<vmem>>, vector<1x1x16xf32>,
      %get3A_710 = vector.shape_cast %get3A_709 : vector<1x1x16xf32> to vector<16xf32>
      %add3A_711 = arith.addf %scan3A_643, %get3A_710 : vector<16xf32>
      %get3A_712 = arith.constant 0 : i32
      %get3A_713 = arith.index_cast %scan3A_637 : i32 to index
      %get3A_714 = arith.index_cast %get3A_712 : i32 to index
      %get3A_715 = arith.constant 96 : index
      %get3A_716 = tpu.vector_load %arg6[%get3A_713, %get3A_714, %get3A_715] {strides = array<i32>} : memref<20x1x512xf32, #tpu.memory_space<vmem>>, vector<1x1x16xf32>,
      %get3A_717 = vector.shape_cast %get3A_716 : vector<1x1x16xf32> to vector<16xf32>
      %add3A_718 = arith.addf %scan3A_644, %get3A_717 : vector<16xf32>
      %get3A_719 = arith.constant 0 : i32
      %get3A_720 = arith.index_cast %scan3A_637 : i32 to index
      %get3A_721 = arith.index_cast %get3A_719 : i32 to index
      %get3A_722 = arith.constant 112 : index
      %get3A_723 = tpu.vector_load %arg6[%get3A_720, %get3A_721, %get3A_722] {strides = array<i32>} : memref<20x1x512xf32, #tpu.memory_space<vmem>>, vector<1x1x16xf32>,
      %get3A_724 = vector.shape_cast %get3A_723 : vector<1x1x16xf32> to vector<16xf32>
      %add3A_725 = arith.addf %scan3A_645, %get3A_724 : vector<16xf32>
      %get3A_726 = arith.constant 0 : i32
      %get3A_727 = arith.index_cast %scan3A_637 : i32 to index
      %get3A_728 = arith.index_cast %get3A_726 : i32 to index
      %get3A_729 = arith.constant 128 : index
      %get3A_730 = tpu.vector_load %arg6[%get3A_727, %get3A_728, %get3A_729] {strides = array<i32>} : memref<20x1x512xf32, #tpu.memory_space<vmem>>, vector<1x1x16xf32>,
      %get3A_731 = vector.shape_cast %get3A_730 : vector<1x1x16xf32> to vector<16xf32>
      %add3A_732 = arith.addf %scan3A_646, %get3A_731 : vector<16xf32>
      %get3A_733 = arith.constant 0 : i32
      %get3A_734 = arith.index_cast %scan3A_637 : i32 to index
      %get3A_735 = arith.index_cast %get3A_733 : i32 to index
      %get3A_736 = arith.constant 144 : index
      %get3A_737 = tpu.vector_load %arg6[%get3A_734, %get3A_735, %get3A_736] {strides = array<i32>} : memref<20x1x512xf32, #tpu.memory_space<vmem>>, vector<1x1x16xf32>,
      %get3A_738 = vector.shape_cast %get3A_737 : vector<1x1x16xf32> to vector<16xf32>
      %add3A_739 = arith.addf %scan3A_647, %get3A_738 : vector<16xf32>
      %get3A_740 = arith.constant 0 : i32
      %get3A_741 = arith.index_cast %scan3A_637 : i32 to index
      %get3A_742 = arith.index_cast %get3A_740 : i32 to index
      %get3A_743 = arith.constant 160 : index
      %get3A_744 = tpu.vector_load %arg6[%get3A_741, %get3A_742, %get3A_743] {strides = array<i32>} : memref<20x1x512xf32, #tpu.memory_space<vmem>>, vector<1x1x16xf32>,
      %get3A_745 = vector.shape_cast %get3A_744 : vector<1x1x16xf32> to vector<16xf32>
      %add3A_746 = arith.addf %scan3A_648, %get3A_745 : vector<16xf32>
      %get3A_747 = arith.constant 0 : i32
      %get3A_748 = arith.index_cast %scan3A_637 : i32 to index
      %get3A_749 = arith.index_cast %get3A_747 : i32 to index
      %get3A_750 = arith.constant 176 : index
      %get3A_751 = tpu.vector_load %arg6[%get3A_748, %get3A_749, %get3A_750] {strides = array<i32>} : memref<20x1x512xf32, #tpu.memory_space<vmem>>, vector<1x1x16xf32>,
      %get3A_752 = vector.shape_cast %get3A_751 : vector<1x1x16xf32> to vector<16xf32>
      %add3A_753 = arith.addf %scan3A_649, %get3A_752 : vector<16xf32>
      %get3A_754 = arith.constant 0 : i32
      %get3A_755 = arith.index_cast %scan3A_637 : i32 to index
      %get3A_756 = arith.index_cast %get3A_754 : i32 to index
      %get3A_757 = arith.constant 192 : index
      %get3A_758 = tpu.vector_load %arg6[%get3A_755, %get3A_756, %get3A_757] {strides = array<i32>} : memref<20x1x512xf32, #tpu.memory_space<vmem>>, vector<1x1x16xf32>,
      %get3A_759 = vector.shape_cast %get3A_758 : vector<1x1x16xf32> to vector<16xf32>
      %add3A_760 = arith.addf %scan3A_650, %get3A_759 : vector<16xf32>
      %get3A_761 = arith.constant 0 : i32
      %get3A_762 = arith.index_cast %scan3A_637 : i32 to index
      %get3A_763 = arith.index_cast %get3A_761 : i32 to index
      %get3A_764 = arith.constant 208 : index
      %get3A_765 = tpu.vector_load %arg6[%get3A_762, %get3A_763, %get3A_764] {strides = array<i32>} : memref<20x1x512xf32, #tpu.memory_space<vmem>>, vector<1x1x16xf32>,
      %get3A_766 = vector.shape_cast %get3A_765 : vector<1x1x16xf32> to vector<16xf32>
      %add3A_767 = arith.addf %scan3A_651, %get3A_766 : vector<16xf32>
      %get3A_768 = arith.constant 0 : i32
      %get3A_769 = arith.index_cast %scan3A_637 : i32 to index
      %get3A_770 = arith.index_cast %get3A_768 : i32 to index
      %get3A_771 = arith.constant 224 : index
      %get3A_772 = tpu.vector_load %arg6[%get3A_769, %get3A_770, %get3A_771] {strides = array<i32>} : memref<20x1x512xf32, #tpu.memory_space<vmem>>, vector<1x1x16xf32>,
      %get3A_773 = vector.shape_cast %get3A_772 : vector<1x1x16xf32> to vector<16xf32>
      %add3A_774 = arith.addf %scan3A_652, %get3A_773 : vector<16xf32>
      %get3A_775 = arith.constant 0 : i32
      %get3A_776 = arith.index_cast %scan3A_637 : i32 to index
      %get3A_777 = arith.index_cast %get3A_775 : i32 to index
      %get3A_778 = arith.constant 240 : index
      %get3A_779 = tpu.vector_load %arg6[%get3A_776, %get3A_777, %get3A_778] {strides = array<i32>} : memref<20x1x512xf32, #tpu.memory_space<vmem>>, vector<1x1x16xf32>,
      %get3A_780 = vector.shape_cast %get3A_779 : vector<1x1x16xf32> to vector<16xf32>
      %add3A_781 = arith.addf %scan3A_653, %get3A_780 : vector<16xf32>
      %get3A_782 = arith.constant 0 : i32
      %get3A_783 = arith.index_cast %scan3A_637 : i32 to index
      %get3A_784 = arith.index_cast %get3A_782 : i32 to index
      %get3A_785 = arith.constant 256 : index
      %get3A_786 = tpu.vector_load %arg6[%get3A_783, %get3A_784, %get3A_785] {strides = array<i32>} : memref<20x1x512xf32, #tpu.memory_space<vmem>>, vector<1x1x16xf32>,
      %get3A_787 = vector.shape_cast %get3A_786 : vector<1x1x16xf32> to vector<16xf32>
      %add3A_788 = arith.addf %scan3A_654, %get3A_787 : vector<16xf32>
      %get3A_789 = arith.constant 0 : i32
      %get3A_790 = arith.index_cast %scan3A_637 : i32 to index
      %get3A_791 = arith.index_cast %get3A_789 : i32 to index
      %get3A_792 = arith.constant 272 : index
      %get3A_793 = tpu.vector_load %arg6[%get3A_790, %get3A_791, %get3A_792] {strides = array<i32>} : memref<20x1x512xf32, #tpu.memory_space<vmem>>, vector<1x1x16xf32>,
      %get3A_794 = vector.shape_cast %get3A_793 : vector<1x1x16xf32> to vector<16xf32>
      %add3A_795 = arith.addf %scan3A_655, %get3A_794 : vector<16xf32>
      %get3A_796 = arith.constant 0 : i32
      %get3A_797 = arith.index_cast %scan3A_637 : i32 to index
      %get3A_798 = arith.index_cast %get3A_796 : i32 to index
      %get3A_799 = arith.constant 288 : index
      %get3A_800 = tpu.vector_load %arg6[%get3A_797, %get3A_798, %get3A_799] {strides = array<i32>} : memref<20x1x512xf32, #tpu.memory_space<vmem>>, vector<1x1x16xf32>,
      %get3A_801 = vector.shape_cast %get3A_800 : vector<1x1x16xf32> to vector<16xf32>
      %add3A_802 = arith.addf %scan3A_656, %get3A_801 : vector<16xf32>
      %get3A_803 = arith.constant 0 : i32
      %get3A_804 = arith.index_cast %scan3A_637 : i32 to index
      %get3A_805 = arith.index_cast %get3A_803 : i32 to index
      %get3A_806 = arith.constant 304 : index
      %get3A_807 = tpu.vector_load %arg6[%get3A_804, %get3A_805, %get3A_806] {strides = array<i32>} : memref<20x1x512xf32, #tpu.memory_space<vmem>>, vector<1x1x16xf32>,
      %get3A_808 = vector.shape_cast %get3A_807 : vector<1x1x16xf32> to vector<16xf32>
      %add3A_809 = arith.addf %scan3A_657, %get3A_808 : vector<16xf32>
      %get3A_810 = arith.constant 0 : i32
      %get3A_811 = arith.index_cast %scan3A_637 : i32 to index
      %get3A_812 = arith.index_cast %get3A_810 : i32 to index
      %get3A_813 = arith.constant 320 : index
      %get3A_814 = tpu.vector_load %arg6[%get3A_811, %get3A_812, %get3A_813] {strides = array<i32>} : memref<20x1x512xf32, #tpu.memory_space<vmem>>, vector<1x1x16xf32>,
      %get3A_815 = vector.shape_cast %get3A_814 : vector<1x1x16xf32> to vector<16xf32>
      %add3A_816 = arith.addf %scan3A_658, %get3A_815 : vector<16xf32>
      %get3A_817 = arith.constant 0 : i32
      %get3A_818 = arith.index_cast %scan3A_637 : i32 to index
      %get3A_819 = arith.index_cast %get3A_817 : i32 to index
      %get3A_820 = arith.constant 336 : index
      %get3A_821 = tpu.vector_load %arg6[%get3A_818, %get3A_819, %get3A_820] {strides = array<i32>} : memref<20x1x512xf32, #tpu.memory_space<vmem>>, vector<1x1x16xf32>,
      %get3A_822 = vector.shape_cast %get3A_821 : vector<1x1x16xf32> to vector<16xf32>
      %add3A_823 = arith.addf %scan3A_659, %get3A_822 : vector<16xf32>
      %get3A_824 = arith.constant 0 : i32
      %get3A_825 = arith.index_cast %scan3A_637 : i32 to index
      %get3A_826 = arith.index_cast %get3A_824 : i32 to index
      %get3A_827 = arith.constant 352 : index
      %get3A_828 = tpu.vector_load %arg6[%get3A_825, %get3A_826, %get3A_827] {strides = array<i32>} : memref<20x1x512xf32, #tpu.memory_space<vmem>>, vector<1x1x16xf32>,
      %get3A_829 = vector.shape_cast %get3A_828 : vector<1x1x16xf32> to vector<16xf32>
      %add3A_830 = arith.addf %scan3A_660, %get3A_829 : vector<16xf32>
      %get3A_831 = arith.constant 0 : i32
      %get3A_832 = arith.index_cast %scan3A_637 : i32 to index
      %get3A_833 = arith.index_cast %get3A_831 : i32 to index
      %get3A_834 = arith.constant 368 : index
      %get3A_835 = tpu.vector_load %arg6[%get3A_832, %get3A_833, %get3A_834] {strides = array<i32>} : memref<20x1x512xf32, #tpu.memory_space<vmem>>, vector<1x1x16xf32>,
      %get3A_836 = vector.shape_cast %get3A_835 : vector<1x1x16xf32> to vector<16xf32>
      %add3A_837 = arith.addf %scan3A_661, %get3A_836 : vector<16xf32>
      %get3A_838 = arith.constant 0 : i32
      %get3A_839 = arith.index_cast %scan3A_637 : i32 to index
      %get3A_840 = arith.index_cast %get3A_838 : i32 to index
      %get3A_841 = arith.constant 384 : index
      %get3A_842 = tpu.vector_load %arg6[%get3A_839, %get3A_840, %get3A_841] {strides = array<i32>} : memref<20x1x512xf32, #tpu.memory_space<vmem>>, vector<1x1x16xf32>,
      %get3A_843 = vector.shape_cast %get3A_842 : vector<1x1x16xf32> to vector<16xf32>
      %add3A_844 = arith.addf %scan3A_662, %get3A_843 : vector<16xf32>
      %get3A_845 = arith.constant 0 : i32
      %get3A_846 = arith.index_cast %scan3A_637 : i32 to index
      %get3A_847 = arith.index_cast %get3A_845 : i32 to index
      %get3A_848 = arith.constant 400 : index
      %get3A_849 = tpu.vector_load %arg6[%get3A_846, %get3A_847, %get3A_848] {strides = array<i32>} : memref<20x1x512xf32, #tpu.memory_space<vmem>>, vector<1x1x16xf32>,
      %get3A_850 = vector.shape_cast %get3A_849 : vector<1x1x16xf32> to vector<16xf32>
      %add3A_851 = arith.addf %scan3A_663, %get3A_850 : vector<16xf32>
      %get3A_852 = arith.constant 0 : i32
      %get3A_853 = arith.index_cast %scan3A_637 : i32 to index
      %get3A_854 = arith.index_cast %get3A_852 : i32 to index
      %get3A_855 = arith.constant 416 : index
      %get3A_856 = tpu.vector_load %arg6[%get3A_853, %get3A_854, %get3A_855] {strides = array<i32>} : memref<20x1x512xf32, #tpu.memory_space<vmem>>, vector<1x1x16xf32>,
      %get3A_857 = vector.shape_cast %get3A_856 : vector<1x1x16xf32> to vector<16xf32>
      %add3A_858 = arith.addf %scan3A_664, %get3A_857 : vector<16xf32>
      %get3A_859 = arith.constant 0 : i32
      %get3A_860 = arith.index_cast %scan3A_637 : i32 to index
      %get3A_861 = arith.index_cast %get3A_859 : i32 to index
      %get3A_862 = arith.constant 432 : index
      %get3A_863 = tpu.vector_load %arg6[%get3A_860, %get3A_861, %get3A_862] {strides = array<i32>} : memref<20x1x512xf32, #tpu.memory_space<vmem>>, vector<1x1x16xf32>,
      %get3A_864 = vector.shape_cast %get3A_863 : vector<1x1x16xf32> to vector<16xf32>
      %add3A_865 = arith.addf %scan3A_665, %get3A_864 : vector<16xf32>
      %get3A_866 = arith.constant 0 : i32
      %get3A_867 = arith.index_cast %scan3A_637 : i32 to index
      %get3A_868 = arith.index_cast %get3A_866 : i32 to index
      %get3A_869 = arith.constant 448 : index
      %get3A_870 = tpu.vector_load %arg6[%get3A_867, %get3A_868, %get3A_869] {strides = array<i32>} : memref<20x1x512xf32, #tpu.memory_space<vmem>>, vector<1x1x16xf32>,
      %get3A_871 = vector.shape_cast %get3A_870 : vector<1x1x16xf32> to vector<16xf32>
      %add3A_872 = arith.addf %scan3A_666, %get3A_871 : vector<16xf32>
      %get3A_873 = arith.constant 0 : i32
      %get3A_874 = arith.index_cast %scan3A_637 : i32 to index
      %get3A_875 = arith.index_cast %get3A_873 : i32 to index
      %get3A_876 = arith.constant 464 : index
      %get3A_877 = tpu.vector_load %arg6[%get3A_874, %get3A_875, %get3A_876] {strides = array<i32>} : memref<20x1x512xf32, #tpu.memory_space<vmem>>, vector<1x1x16xf32>,
      %get3A_878 = vector.shape_cast %get3A_877 : vector<1x1x16xf32> to vector<16xf32>
      %add3A_879 = arith.addf %scan3A_667, %get3A_878 : vector<16xf32>
      %get3A_880 = arith.constant 0 : i32
      %get3A_881 = arith.index_cast %scan3A_637 : i32 to index
      %get3A_882 = arith.index_cast %get3A_880 : i32 to index
      %get3A_883 = arith.constant 480 : index
      %get3A_884 = tpu.vector_load %arg6[%get3A_881, %get3A_882, %get3A_883] {strides = array<i32>} : memref<20x1x512xf32, #tpu.memory_space<vmem>>, vector<1x1x16xf32>,
      %get3A_885 = vector.shape_cast %get3A_884 : vector<1x1x16xf32> to vector<16xf32>
      %add3A_886 = arith.addf %scan3A_668, %get3A_885 : vector<16xf32>
      %get3A_887 = arith.constant 0 : i32
      %get3A_888 = arith.index_cast %scan3A_637 : i32 to index
      %get3A_889 = arith.index_cast %get3A_887 : i32 to index
      %get3A_890 = arith.constant 496 : index
      %get3A_891 = tpu.vector_load %arg6[%get3A_888, %get3A_889, %get3A_890] {strides = array<i32>} : memref<20x1x512xf32, #tpu.memory_space<vmem>>, vector<1x1x16xf32>,
      %get3A_892 = vector.shape_cast %get3A_891 : vector<1x1x16xf32> to vector<16xf32>
      %add3A_893 = arith.addf %scan3A_669, %get3A_892 : vector<16xf32>
      scf.yield %add3A_676, %add3A_683, %add3A_690, %add3A_697, %add3A_704, %add3A_711, %add3A_718, %add3A_725, %add3A_732, %add3A_739, %add3A_746, %add3A_753, %add3A_760, %add3A_767, %add3A_774, %add3A_781, %add3A_788, %add3A_795, %add3A_802, %add3A_809, %add3A_816, %add3A_823, %add3A_830, %add3A_837, %add3A_844, %add3A_851, %add3A_858, %add3A_865, %add3A_872, %add3A_879, %add3A_886, %add3A_893 : vector<16xf32>, vector<16xf32>, vector<16xf32>, vector<16xf32>, vector<16xf32>, vector<16xf32>, vector<16xf32>, vector<16xf32>, vector<16xf32>, vector<16xf32>, vector<16xf32>, vector<16xf32>, vector<16xf32>, vector<16xf32>, vector<16xf32>, vector<16xf32>, vector<16xf32>, vector<16xf32>, vector<16xf32>, vector<16xf32>, vector<16xf32>, vector<16xf32>, vector<16xf32>, vector<16xf32>, vector<16xf32>, vector<16xf32>, vector<16xf32>, vector<16xf32>, vector<16xf32>, vector<16xf32>, vector<16xf32>, vector<16xf32>
    }
    %scan3A_202 = arith.constant 20 : i32
    %swap3A_203 = arith.constant 0 : index
    %swap3A_204 = tpu.vector_load %arg9[%swap3A_203] {strides = array<i32>} : memref<512xf32, #tpu.memory_space<vmem>>, vector<16xf32>,
    %swap3A_205 = vector.shape_cast %swap3A_204 : vector<16xf32> to vector<16xf32>
    %swap3A_206 = vector.shape_cast %scan3A_201#0 : vector<16xf32> to vector<16xf32>
    tpu.vector_store %arg9[%swap3A_203], %swap3A_206 {strides = array<i32>} : memref<512xf32, #tpu.memory_space<vmem>>, vector<16xf32>,
    %swap3A_207 = arith.constant 16 : index
    %swap3A_208 = tpu.vector_load %arg9[%swap3A_207] {strides = array<i32>} : memref<512xf32, #tpu.memory_space<vmem>>, vector<16xf32>,
    %swap3A_209 = vector.shape_cast %swap3A_208 : vector<16xf32> to vector<16xf32>
    %swap3A_210 = vector.shape_cast %scan3A_201#1 : vector<16xf32> to vector<16xf32>
    tpu.vector_store %arg9[%swap3A_207], %swap3A_210 {strides = array<i32>} : memref<512xf32, #tpu.memory_space<vmem>>, vector<16xf32>,
    %swap3A_211 = arith.constant 32 : index
    %swap3A_212 = tpu.vector_load %arg9[%swap3A_211] {strides = array<i32>} : memref<512xf32, #tpu.memory_space<vmem>>, vector<16xf32>,
    %swap3A_213 = vector.shape_cast %swap3A_212 : vector<16xf32> to vector<16xf32>
    %swap3A_214 = vector.shape_cast %scan3A_201#2 : vector<16xf32> to vector<16xf32>
    tpu.vector_store %arg9[%swap3A_211], %swap3A_214 {strides = array<i32>} : memref<512xf32, #tpu.memory_space<vmem>>, vector<16xf32>,
    %swap3A_215 = arith.constant 48 : index
    %swap3A_216 = tpu.vector_load %arg9[%swap3A_215] {strides = array<i32>} : memref<512xf32, #tpu.memory_space<vmem>>, vector<16xf32>,
    %swap3A_217 = vector.shape_cast %swap3A_216 : vector<16xf32> to vector<16xf32>
    %swap3A_218 = vector.shape_cast %scan3A_201#3 : vector<16xf32> to vector<16xf32>
    tpu.vector_store %arg9[%swap3A_215], %swap3A_218 {strides = array<i32>} : memref<512xf32, #tpu.memory_space<vmem>>, vector<16xf32>,
    %swap3A_219 = arith.constant 64 : index
    %swap3A_220 = tpu.vector_load %arg9[%swap3A_219] {strides = array<i32>} : memref<512xf32, #tpu.memory_space<vmem>>, vector<16xf32>,
    %swap3A_221 = vector.shape_cast %swap3A_220 : vector<16xf32> to vector<16xf32>
    %swap3A_222 = vector.shape_cast %scan3A_201#4 : vector<16xf32> to vector<16xf32>
    tpu.vector_store %arg9[%swap3A_219], %swap3A_222 {strides = array<i32>} : memref<512xf32, #tpu.memory_space<vmem>>, vector<16xf32>,
    %swap3A_223 = arith.constant 80 : index
    %swap3A_224 = tpu.vector_load %arg9[%swap3A_223] {strides = array<i32>} : memref<512xf32, #tpu.memory_space<vmem>>, vector<16xf32>,
    %swap3A_225 = vector.shape_cast %swap3A_224 : vector<16xf32> to vector<16xf32>
    %swap3A_226 = vector.shape_cast %scan3A_201#5 : vector<16xf32> to vector<16xf32>
    tpu.vector_store %arg9[%swap3A_223], %swap3A_226 {strides = array<i32>} : memref<512xf32, #tpu.memory_space<vmem>>, vector<16xf32>,
    %swap3A_227 = arith.constant 96 : index
    %swap3A_228 = tpu.vector_load %arg9[%swap3A_227] {strides = array<i32>} : memref<512xf32, #tpu.memory_space<vmem>>, vector<16xf32>,
    %swap3A_229 = vector.shape_cast %swap3A_228 : vector<16xf32> to vector<16xf32>
    %swap3A_230 = vector.shape_cast %scan3A_201#6 : vector<16xf32> to vector<16xf32>
    tpu.vector_store %arg9[%swap3A_227], %swap3A_230 {strides = array<i32>} : memref<512xf32, #tpu.memory_space<vmem>>, vector<16xf32>,
    %swap3A_231 = arith.constant 112 : index
    %swap3A_232 = tpu.vector_load %arg9[%swap3A_231] {strides = array<i32>} : memref<512xf32, #tpu.memory_space<vmem>>, vector<16xf32>,
    %swap3A_233 = vector.shape_cast %swap3A_232 : vector<16xf32> to vector<16xf32>
    %swap3A_234 = vector.shape_cast %scan3A_201#7 : vector<16xf32> to vector<16xf32>
    tpu.vector_store %arg9[%swap3A_231], %swap3A_234 {strides = array<i32>} : memref<512xf32, #tpu.memory_space<vmem>>, vector<16xf32>,
    %swap3A_235 = arith.constant 128 : index
    %swap3A_236 = tpu.vector_load %arg9[%swap3A_235] {strides = array<i32>} : memref<512xf32, #tpu.memory_space<vmem>>, vector<16xf32>,
    %swap3A_237 = vector.shape_cast %swap3A_236 : vector<16xf32> to vector<16xf32>
    %swap3A_238 = vector.shape_cast %scan3A_201#8 : vector<16xf32> to vector<16xf32>
    tpu.vector_store %arg9[%swap3A_235], %swap3A_238 {strides = array<i32>} : memref<512xf32, #tpu.memory_space<vmem>>, vector<16xf32>,
    %swap3A_239 = arith.constant 144 : index
    %swap3A_240 = tpu.vector_load %arg9[%swap3A_239] {strides = array<i32>} : memref<512xf32, #tpu.memory_space<vmem>>, vector<16xf32>,
    %swap3A_241 = vector.shape_cast %swap3A_240 : vector<16xf32> to vector<16xf32>
    %swap3A_242 = vector.shape_cast %scan3A_201#9 : vector<16xf32> to vector<16xf32>
    tpu.vector_store %arg9[%swap3A_239], %swap3A_242 {strides = array<i32>} : memref<512xf32, #tpu.memory_space<vmem>>, vector<16xf32>,
    %swap3A_243 = arith.constant 160 : index
    %swap3A_244 = tpu.vector_load %arg9[%swap3A_243] {strides = array<i32>} : memref<512xf32, #tpu.memory_space<vmem>>, vector<16xf32>,
    %swap3A_245 = vector.shape_cast %swap3A_244 : vector<16xf32> to vector<16xf32>
    %swap3A_246 = vector.shape_cast %scan3A_201#10 : vector<16xf32> to vector<16xf32>
    tpu.vector_store %arg9[%swap3A_243], %swap3A_246 {strides = array<i32>} : memref<512xf32, #tpu.memory_space<vmem>>, vector<16xf32>,
    %swap3A_247 = arith.constant 176 : index
    %swap3A_248 = tpu.vector_load %arg9[%swap3A_247] {strides = array<i32>} : memref<512xf32, #tpu.memory_space<vmem>>, vector<16xf32>,
    %swap3A_249 = vector.shape_cast %swap3A_248 : vector<16xf32> to vector<16xf32>
    %swap3A_250 = vector.shape_cast %scan3A_201#11 : vector<16xf32> to vector<16xf32>
    tpu.vector_store %arg9[%swap3A_247], %swap3A_250 {strides = array<i32>} : memref<512xf32, #tpu.memory_space<vmem>>, vector<16xf32>,
    %swap3A_251 = arith.constant 192 : index
    %swap3A_252 = tpu.vector_load %arg9[%swap3A_251] {strides = array<i32>} : memref<512xf32, #tpu.memory_space<vmem>>, vector<16xf32>,
    %swap3A_253 = vector.shape_cast %swap3A_252 : vector<16xf32> to vector<16xf32>
    %swap3A_254 = vector.shape_cast %scan3A_201#12 : vector<16xf32> to vector<16xf32>
    tpu.vector_store %arg9[%swap3A_251], %swap3A_254 {strides = array<i32>} : memref<512xf32, #tpu.memory_space<vmem>>, vector<16xf32>,
    %swap3A_255 = arith.constant 208 : index
    %swap3A_256 = tpu.vector_load %arg9[%swap3A_255] {strides = array<i32>} : memref<512xf32, #tpu.memory_space<vmem>>, vector<16xf32>,
    %swap3A_257 = vector.shape_cast %swap3A_256 : vector<16xf32> to vector<16xf32>
    %swap3A_258 = vector.shape_cast %scan3A_201#13 : vector<16xf32> to vector<16xf32>
    tpu.vector_store %arg9[%swap3A_255], %swap3A_258 {strides = array<i32>} : memref<512xf32, #tpu.memory_space<vmem>>, vector<16xf32>,
    %swap3A_259 = arith.constant 224 : index
    %swap3A_260 = tpu.vector_load %arg9[%swap3A_259] {strides = array<i32>} : memref<512xf32, #tpu.memory_space<vmem>>, vector<16xf32>,
    %swap3A_261 = vector.shape_cast %swap3A_260 : vector<16xf32> to vector<16xf32>
    %swap3A_262 = vector.shape_cast %scan3A_201#14 : vector<16xf32> to vector<16xf32>
    tpu.vector_store %arg9[%swap3A_259], %swap3A_262 {strides = array<i32>} : memref<512xf32, #tpu.memory_space<vmem>>, vector<16xf32>,
    %swap3A_263 = arith.constant 240 : index
    %swap3A_264 = tpu.vector_load %arg9[%swap3A_263] {strides = array<i32>} : memref<512xf32, #tpu.memory_space<vmem>>, vector<16xf32>,
    %swap3A_265 = vector.shape_cast %swap3A_264 : vector<16xf32> to vector<16xf32>
    %swap3A_266 = vector.shape_cast %scan3A_201#15 : vector<16xf32> to vector<16xf32>
    tpu.vector_store %arg9[%swap3A_263], %swap3A_266 {strides = array<i32>} : memref<512xf32, #tpu.memory_space<vmem>>, vector<16xf32>,
    %swap3A_267 = arith.constant 256 : index
    %swap3A_268 = tpu.vector_load %arg9[%swap3A_267] {strides = array<i32>} : memref<512xf32, #tpu.memory_space<vmem>>, vector<16xf32>,
    %swap3A_269 = vector.shape_cast %swap3A_268 : vector<16xf32> to vector<16xf32>
    %swap3A_270 = vector.shape_cast %scan3A_201#16 : vector<16xf32> to vector<16xf32>
    tpu.vector_store %arg9[%swap3A_267], %swap3A_270 {strides = array<i32>} : memref<512xf32, #tpu.memory_space<vmem>>, vector<16xf32>,
    %swap3A_271 = arith.constant 272 : index
    %swap3A_272 = tpu.vector_load %arg9[%swap3A_271] {strides = array<i32>} : memref<512xf32, #tpu.memory_space<vmem>>, vector<16xf32>,
    %swap3A_273 = vector.shape_cast %swap3A_272 : vector<16xf32> to vector<16xf32>
    %swap3A_274 = vector.shape_cast %scan3A_201#17 : vector<16xf32> to vector<16xf32>
    tpu.vector_store %arg9[%swap3A_271], %swap3A_274 {strides = array<i32>} : memref<512xf32, #tpu.memory_space<vmem>>, vector<16xf32>,
    %swap3A_275 = arith.constant 288 : index
    %swap3A_276 = tpu.vector_load %arg9[%swap3A_275] {strides = array<i32>} : memref<512xf32, #tpu.memory_space<vmem>>, vector<16xf32>,
    %swap3A_277 = vector.shape_cast %swap3A_276 : vector<16xf32> to vector<16xf32>
    %swap3A_278 = vector.shape_cast %scan3A_201#18 : vector<16xf32> to vector<16xf32>
    tpu.vector_store %arg9[%swap3A_275], %swap3A_278 {strides = array<i32>} : memref<512xf32, #tpu.memory_space<vmem>>, vector<16xf32>,
    %swap3A_279 = arith.constant 304 : index
    %swap3A_280 = tpu.vector_load %arg9[%swap3A_279] {strides = array<i32>} : memref<512xf32, #tpu.memory_space<vmem>>, vector<16xf32>,
    %swap3A_281 = vector.shape_cast %swap3A_280 : vector<16xf32> to vector<16xf32>
    %swap3A_282 = vector.shape_cast %scan3A_201#19 : vector<16xf32> to vector<16xf32>
    tpu.vector_store %arg9[%swap3A_279], %swap3A_282 {strides = array<i32>} : memref<512xf32, #tpu.memory_space<vmem>>, vector<16xf32>,
    %swap3A_283 = arith.constant 320 : index
    %swap3A_284 = tpu.vector_load %arg9[%swap3A_283] {strides = array<i32>} : memref<512xf32, #tpu.memory_space<vmem>>, vector<16xf32>,
    %swap3A_285 = vector.shape_cast %swap3A_284 : vector<16xf32> to vector<16xf32>
    %swap3A_286 = vector.shape_cast %scan3A_201#20 : vector<16xf32> to vector<16xf32>
    tpu.vector_store %arg9[%swap3A_283], %swap3A_286 {strides = array<i32>} : memref<512xf32, #tpu.memory_space<vmem>>, vector<16xf32>,
    %swap3A_287 = arith.constant 336 : index
    %swap3A_288 = tpu.vector_load %arg9[%swap3A_287] {strides = array<i32>} : memref<512xf32, #tpu.memory_space<vmem>>, vector<16xf32>,
    %swap3A_289 = vector.shape_cast %swap3A_288 : vector<16xf32> to vector<16xf32>
    %swap3A_290 = vector.shape_cast %scan3A_201#21 : vector<16xf32> to vector<16xf32>
    tpu.vector_store %arg9[%swap3A_287], %swap3A_290 {strides = array<i32>} : memref<512xf32, #tpu.memory_space<vmem>>, vector<16xf32>,
    %swap3A_291 = arith.constant 352 : index
    %swap3A_292 = tpu.vector_load %arg9[%swap3A_291] {strides = array<i32>} : memref<512xf32, #tpu.memory_space<vmem>>, vector<16xf32>,
    %swap3A_293 = vector.shape_cast %swap3A_292 : vector<16xf32> to vector<16xf32>
    %swap3A_294 = vector.shape_cast %scan3A_201#22 : vector<16xf32> to vector<16xf32>
    tpu.vector_store %arg9[%swap3A_291], %swap3A_294 {strides = array<i32>} : memref<512xf32, #tpu.memory_space<vmem>>, vector<16xf32>,
    %swap3A_295 = arith.constant 368 : index
    %swap3A_296 = tpu.vector_load %arg9[%swap3A_295] {strides = array<i32>} : memref<512xf32, #tpu.memory_space<vmem>>, vector<16xf32>,
    %swap3A_297 = vector.shape_cast %swap3A_296 : vector<16xf32> to vector<16xf32>
    %swap3A_298 = vector.shape_cast %scan3A_201#23 : vector<16xf32> to vector<16xf32>
    tpu.vector_store %arg9[%swap3A_295], %swap3A_298 {strides = array<i32>} : memref<512xf32, #tpu.memory_space<vmem>>, vector<16xf32>,
    %swap3A_299 = arith.constant 384 : index
    %swap3A_300 = tpu.vector_load %arg9[%swap3A_299] {strides = array<i32>} : memref<512xf32, #tpu.memory_space<vmem>>, vector<16xf32>,
    %swap3A_301 = vector.shape_cast %swap3A_300 : vector<16xf32> to vector<16xf32>
    %swap3A_302 = vector.shape_cast %scan3A_201#24 : vector<16xf32> to vector<16xf32>
    tpu.vector_store %arg9[%swap3A_299], %swap3A_302 {strides = array<i32>} : memref<512xf32, #tpu.memory_space<vmem>>, vector<16xf32>,
    %swap3A_303 = arith.constant 400 : index
    %swap3A_304 = tpu.vector_load %arg9[%swap3A_303] {strides = array<i32>} : memref<512xf32, #tpu.memory_space<vmem>>, vector<16xf32>,
    %swap3A_305 = vector.shape_cast %swap3A_304 : vector<16xf32> to vector<16xf32>
    %swap3A_306 = vector.shape_cast %scan3A_201#25 : vector<16xf32> to vector<16xf32>
    tpu.vector_store %arg9[%swap3A_303], %swap3A_306 {strides = array<i32>} : memref<512xf32, #tpu.memory_space<vmem>>, vector<16xf32>,
    %swap3A_307 = arith.constant 416 : index
    %swap3A_308 = tpu.vector_load %arg9[%swap3A_307] {strides = array<i32>} : memref<512xf32, #tpu.memory_space<vmem>>, vector<16xf32>,
    %swap3A_309 = vector.shape_cast %swap3A_308 : vector<16xf32> to vector<16xf32>
    %swap3A_310 = vector.shape_cast %scan3A_201#26 : vector<16xf32> to vector<16xf32>
    tpu.vector_store %arg9[%swap3A_307], %swap3A_310 {strides = array<i32>} : memref<512xf32, #tpu.memory_space<vmem>>, vector<16xf32>,
    %swap3A_311 = arith.constant 432 : index
    %swap3A_312 = tpu.vector_load %arg9[%swap3A_311] {strides = array<i32>} : memref<512xf32, #tpu.memory_space<vmem>>, vector<16xf32>,
    %swap3A_313 = vector.shape_cast %swap3A_312 : vector<16xf32> to vector<16xf32>
    %swap3A_314 = vector.shape_cast %scan3A_201#27 : vector<16xf32> to vector<16xf32>
    tpu.vector_store %arg9[%swap3A_311], %swap3A_314 {strides = array<i32>} : memref<512xf32, #tpu.memory_space<vmem>>, vector<16xf32>,
    %swap3A_315 = arith.constant 448 : index
    %swap3A_316 = tpu.vector_load %arg9[%swap3A_315] {strides = array<i32>} : memref<512xf32, #tpu.memory_space<vmem>>, vector<16xf32>,
    %swap3A_317 = vector.shape_cast %swap3A_316 : vector<16xf32> to vector<16xf32>
    %swap3A_318 = vector.shape_cast %scan3A_201#28 : vector<16xf32> to vector<16xf32>
    tpu.vector_store %arg9[%swap3A_315], %swap3A_318 {strides = array<i32>} : memref<512xf32, #tpu.memory_space<vmem>>, vector<16xf32>,
    %swap3A_319 = arith.constant 464 : index
    %swap3A_320 = tpu.vector_load %arg9[%swap3A_319] {strides = array<i32>} : memref<512xf32, #tpu.memory_space<vmem>>, vector<16xf32>,
    %swap3A_321 = vector.shape_cast %swap3A_320 : vector<16xf32> to vector<16xf32>
    %swap3A_322 = vector.shape_cast %scan3A_201#29 : vector<16xf32> to vector<16xf32>
    tpu.vector_store %arg9[%swap3A_319], %swap3A_322 {strides = array<i32>} : memref<512xf32, #tpu.memory_space<vmem>>, vector<16xf32>,
    %swap3A_323 = arith.constant 480 : index
    %swap3A_324 = tpu.vector_load %arg9[%swap3A_323] {strides = array<i32>} : memref<512xf32, #tpu.memory_space<vmem>>, vector<16xf32>,
    %swap3A_325 = vector.shape_cast %swap3A_324 : vector<16xf32> to vector<16xf32>
    %swap3A_326 = vector.shape_cast %scan3A_201#30 : vector<16xf32> to vector<16xf32>
    tpu.vector_store %arg9[%swap3A_323], %swap3A_326 {strides = array<i32>} : memref<512xf32, #tpu.memory_space<vmem>>, vector<16xf32>,
    %swap3A_327 = arith.constant 496 : index
    %swap3A_328 = tpu.vector_load %arg9[%swap3A_327] {strides = array<i32>} : memref<512xf32, #tpu.memory_space<vmem>>, vector<16xf32>,
    %swap3A_329 = vector.shape_cast %swap3A_328 : vector<16xf32> to vector<16xf32>
    %swap3A_330 = vector.shape_cast %scan3A_201#31 : vector<16xf32> to vector<16xf32>
    tpu.vector_store %arg9[%swap3A_327], %swap3A_330 {strides = array<i32>} : memref<512xf32, #tpu.memory_space<vmem>>, vector<16xf32>,
    %add3A_331 = arith.constant 0 : i32
    %add3A_332 = arith.addi %mul3A_2, %add3A_331 : i32
    "tpu.region"() ({
      %run_scoped3A = tpu.sem_alloc : memref<!tpu.dma_semaphore, #tpu.memory_space<semaphore_mem>>
      %dma_start3A_637 = arith.constant 0 : i32
      %dma_start3A_638 = tpu.memref_slice %arg4[%add3A_332, %dma_start3A_637] : memref<64x512xf32, #tpu.memory_space<hbm>> -> memref<1x512xf32, #tpu.memory_space<hbm>>
      %dma_start3A_639 = tpu.memref_squeeze %dma_start3A_638 : memref<1x512xf32, #tpu.memory_space<hbm>> -> memref<512xf32, #tpu.memory_space<hbm>>
      %dma_start3A_640 = arith.constant 0 : i32
      %dma_start3A_641 = tpu.memref_slice %arg4[%add3A_332, %dma_start3A_640] : memref<64x512xf32, #tpu.memory_space<hbm>> -> memref<1x512xf32, #tpu.memory_space<hbm>>
      %dma_start3A_642 = tpu.memref_squeeze %dma_start3A_641 : memref<1x512xf32, #tpu.memory_space<hbm>> -> memref<512xf32, #tpu.memory_space<hbm>>
      tpu.enqueue_dma source(%arg9 : memref<512xf32, #tpu.memory_space<vmem>>) target(%dma_start3A_642 : memref<512xf32, #tpu.memory_space<hbm>>) target_semaphore(%run_scoped3A : memref<!tpu.dma_semaphore, #tpu.memory_space<semaphore_mem>>)
      %dma_wait3A_643 = arith.constant 0 : i32
      %dma_wait3A_644 = tpu.memref_slice %arg4[%add3A_332, %dma_wait3A_643] : memref<64x512xf32, #tpu.memory_space<hbm>> -> memref<1x512xf32, #tpu.memory_space<hbm>>
      %dma_wait3A_645 = tpu.memref_squeeze %dma_wait3A_644 : memref<1x512xf32, #tpu.memory_space<hbm>> -> memref<512xf32, #tpu.memory_space<hbm>>
      %dma_wait3A_646 = arith.constant 0 : i32
      %dma_wait3A_647 = tpu.memref_slice %arg4[%add3A_332, %dma_wait3A_646] : memref<64x512xf32, #tpu.memory_space<hbm>> -> memref<1x512xf32, #tpu.memory_space<hbm>>
      %dma_wait3A_648 = tpu.memref_squeeze %dma_wait3A_647 : memref<1x512xf32, #tpu.memory_space<hbm>> -> memref<512xf32, #tpu.memory_space<hbm>>
      tpu.wait_dma2 semaphore(%run_scoped3A : memref<!tpu.dma_semaphore, #tpu.memory_space<semaphore_mem>>) src(%arg9 : memref<512xf32, #tpu.memory_space<vmem>>) dst(%dma_wait3A_648 : memref<512xf32, #tpu.memory_space<hbm>>)
      tpu.yield
    }) : () -> ()
    %broadcast_in_dim3A_333 = arith.constant 0.000000e+00 : f32
    %broadcast_in_dim3A_334 = vector.broadcast %broadcast_in_dim3A_333 : f32 to vector<16xf32>
    %get3A_335 = arith.constant 1 : i32
    %get3A_336 = arith.index_cast %get3A_335 : i32 to index
    %get3A_337 = arith.constant 0 : index
    %get3A_338 = tpu.vector_load %arg8[%get3A_336, %get3A_337] {strides = array<i32>} : memref<2x128xf32, #tpu.memory_space<vmem>>, vector<1x16xf32>,
    %get3A_339 = vector.shape_cast %get3A_338 : vector<1x16xf32> to vector<16xf32>
    %add3A_340 = arith.addf %broadcast_in_dim3A_334, %get3A_339 : vector<16xf32>
    %get3A_341 = arith.constant 1 : i32
    %get3A_342 = arith.index_cast %get3A_341 : i32 to index
    %get3A_343 = arith.constant 16 : index
    %get3A_344 = tpu.vector_load %arg8[%get3A_342, %get3A_343] {strides = array<i32>} : memref<2x128xf32, #tpu.memory_space<vmem>>, vector<1x16xf32>,
    %get3A_345 = vector.shape_cast %get3A_344 : vector<1x16xf32> to vector<16xf32>
    %add3A_346 = arith.addf %add3A_340, %get3A_345 : vector<16xf32>
    %get3A_347 = arith.constant 1 : i32
    %get3A_348 = arith.index_cast %get3A_347 : i32 to index
    %get3A_349 = arith.constant 32 : index
    %get3A_350 = tpu.vector_load %arg8[%get3A_348, %get3A_349] {strides = array<i32>} : memref<2x128xf32, #tpu.memory_space<vmem>>, vector<1x16xf32>,
    %get3A_351 = vector.shape_cast %get3A_350 : vector<1x16xf32> to vector<16xf32>
    %add3A_352 = arith.addf %add3A_346, %get3A_351 : vector<16xf32>
    %get3A_353 = arith.constant 1 : i32
    %get3A_354 = arith.index_cast %get3A_353 : i32 to index
    %get3A_355 = arith.constant 48 : index
    %get3A_356 = tpu.vector_load %arg8[%get3A_354, %get3A_355] {strides = array<i32>} : memref<2x128xf32, #tpu.memory_space<vmem>>, vector<1x16xf32>,
    %get3A_357 = vector.shape_cast %get3A_356 : vector<1x16xf32> to vector<16xf32>
    %add3A_358 = arith.addf %add3A_352, %get3A_357 : vector<16xf32>
    %get3A_359 = arith.constant 1 : i32
    %get3A_360 = arith.index_cast %get3A_359 : i32 to index
    %get3A_361 = arith.constant 64 : index
    %get3A_362 = tpu.vector_load %arg8[%get3A_360, %get3A_361] {strides = array<i32>} : memref<2x128xf32, #tpu.memory_space<vmem>>, vector<1x16xf32>,
    %get3A_363 = vector.shape_cast %get3A_362 : vector<1x16xf32> to vector<16xf32>
    %add3A_364 = arith.addf %add3A_358, %get3A_363 : vector<16xf32>
    %get3A_365 = arith.constant 1 : i32
    %get3A_366 = arith.index_cast %get3A_365 : i32 to index
    %get3A_367 = arith.constant 80 : index
    %get3A_368 = tpu.vector_load %arg8[%get3A_366, %get3A_367] {strides = array<i32>} : memref<2x128xf32, #tpu.memory_space<vmem>>, vector<1x16xf32>,
    %get3A_369 = vector.shape_cast %get3A_368 : vector<1x16xf32> to vector<16xf32>
    %add3A_370 = arith.addf %add3A_364, %get3A_369 : vector<16xf32>
    %get3A_371 = arith.constant 1 : i32
    %get3A_372 = arith.index_cast %get3A_371 : i32 to index
    %get3A_373 = arith.constant 96 : index
    %get3A_374 = tpu.vector_load %arg8[%get3A_372, %get3A_373] {strides = array<i32>} : memref<2x128xf32, #tpu.memory_space<vmem>>, vector<1x16xf32>,
    %get3A_375 = vector.shape_cast %get3A_374 : vector<1x16xf32> to vector<16xf32>
    %add3A_376 = arith.addf %add3A_370, %get3A_375 : vector<16xf32>
    %get3A_377 = arith.constant 1 : i32
    %get3A_378 = arith.index_cast %get3A_377 : i32 to index
    %get3A_379 = arith.constant 112 : index
    %get3A_380 = tpu.vector_load %arg8[%get3A_378, %get3A_379] {strides = array<i32>} : memref<2x128xf32, #tpu.memory_space<vmem>>, vector<1x16xf32>,
    %get3A_381 = vector.shape_cast %get3A_380 : vector<1x16xf32> to vector<16xf32>
    %add3A_382 = arith.addf %add3A_376, %get3A_381 : vector<16xf32>
    %slice3A_383 = vector.extract_strided_slice %add3A_382 {offsets = [0], sizes = [1], strides = [1]} : vector<16xf32> to vector<1xf32>
    %squeeze3A_384 = vector.extract %slice3A_383[0] : f32 from vector<1xf32>
    %slice3A_385 = vector.extract_strided_slice %add3A_382 {offsets = [1], sizes = [1], strides = [1]} : vector<16xf32> to vector<1xf32>
    %squeeze3A_386 = vector.extract %slice3A_385[0] : f32 from vector<1xf32>
    %add3A_387 = arith.addf %squeeze3A_384, %squeeze3A_386 : f32
    %slice3A_388 = vector.extract_strided_slice %add3A_382 {offsets = [2], sizes = [1], strides = [1]} : vector<16xf32> to vector<1xf32>
    %squeeze3A_389 = vector.extract %slice3A_388[0] : f32 from vector<1xf32>
    %add3A_390 = arith.addf %add3A_387, %squeeze3A_389 : f32
    %slice3A_391 = vector.extract_strided_slice %add3A_382 {offsets = [3], sizes = [1], strides = [1]} : vector<16xf32> to vector<1xf32>
    %squeeze3A_392 = vector.extract %slice3A_391[0] : f32 from vector<1xf32>
    %add3A_393 = arith.addf %add3A_390, %squeeze3A_392 : f32
    %slice3A_394 = vector.extract_strided_slice %add3A_382 {offsets = [4], sizes = [1], strides = [1]} : vector<16xf32> to vector<1xf32>
    %squeeze3A_395 = vector.extract %slice3A_394[0] : f32 from vector<1xf32>
    %add3A_396 = arith.addf %add3A_393, %squeeze3A_395 : f32
    %slice3A_397 = vector.extract_strided_slice %add3A_382 {offsets = [5], sizes = [1], strides = [1]} : vector<16xf32> to vector<1xf32>
    %squeeze3A_398 = vector.extract %slice3A_397[0] : f32 from vector<1xf32>
    %add3A_399 = arith.addf %add3A_396, %squeeze3A_398 : f32
    %slice3A_400 = vector.extract_strided_slice %add3A_382 {offsets = [6], sizes = [1], strides = [1]} : vector<16xf32> to vector<1xf32>
    %squeeze3A_401 = vector.extract %slice3A_400[0] : f32 from vector<1xf32>
    %add3A_402 = arith.addf %add3A_399, %squeeze3A_401 : f32
    %slice3A_403 = vector.extract_strided_slice %add3A_382 {offsets = [7], sizes = [1], strides = [1]} : vector<16xf32> to vector<1xf32>
    %squeeze3A_404 = vector.extract %slice3A_403[0] : f32 from vector<1xf32>
    %add3A_405 = arith.addf %add3A_402, %squeeze3A_404 : f32
    %slice3A_406 = vector.extract_strided_slice %add3A_382 {offsets = [8], sizes = [1], strides = [1]} : vector<16xf32> to vector<1xf32>
    %squeeze3A_407 = vector.extract %slice3A_406[0] : f32 from vector<1xf32>
    %add3A_408 = arith.addf %add3A_405, %squeeze3A_407 : f32
    %slice3A_409 = vector.extract_strided_slice %add3A_382 {offsets = [9], sizes = [1], strides = [1]} : vector<16xf32> to vector<1xf32>
    %squeeze3A_410 = vector.extract %slice3A_409[0] : f32 from vector<1xf32>
    %add3A_411 = arith.addf %add3A_408, %squeeze3A_410 : f32
    %slice3A_412 = vector.extract_strided_slice %add3A_382 {offsets = [10], sizes = [1], strides = [1]} : vector<16xf32> to vector<1xf32>
    %squeeze3A_413 = vector.extract %slice3A_412[0] : f32 from vector<1xf32>
    %add3A_414 = arith.addf %add3A_411, %squeeze3A_413 : f32
    %slice3A_415 = vector.extract_strided_slice %add3A_382 {offsets = [11], sizes = [1], strides = [1]} : vector<16xf32> to vector<1xf32>
    %squeeze3A_416 = vector.extract %slice3A_415[0] : f32 from vector<1xf32>
    %add3A_417 = arith.addf %add3A_414, %squeeze3A_416 : f32
    %slice3A_418 = vector.extract_strided_slice %add3A_382 {offsets = [12], sizes = [1], strides = [1]} : vector<16xf32> to vector<1xf32>
    %squeeze3A_419 = vector.extract %slice3A_418[0] : f32 from vector<1xf32>
    %add3A_420 = arith.addf %add3A_417, %squeeze3A_419 : f32
    %slice3A_421 = vector.extract_strided_slice %add3A_382 {offsets = [13], sizes = [1], strides = [1]} : vector<16xf32> to vector<1xf32>
    %squeeze3A_422 = vector.extract %slice3A_421[0] : f32 from vector<1xf32>
    %add3A_423 = arith.addf %add3A_420, %squeeze3A_422 : f32
    %slice3A_424 = vector.extract_strided_slice %add3A_382 {offsets = [14], sizes = [1], strides = [1]} : vector<16xf32> to vector<1xf32>
    %squeeze3A_425 = vector.extract %slice3A_424[0] : f32 from vector<1xf32>
    %add3A_426 = arith.addf %add3A_423, %squeeze3A_425 : f32
    %slice3A_427 = vector.extract_strided_slice %add3A_382 {offsets = [15], sizes = [1], strides = [1]} : vector<16xf32> to vector<1xf32>
    %squeeze3A_428 = vector.extract %slice3A_427[0] : f32 from vector<1xf32>
    %add3A_429 = arith.addf %add3A_426, %squeeze3A_428 : f32
    %broadcast_in_dim3A_430 = vector.broadcast %add3A_429 : f32 to vector<16xf32>
    %swap3A_431 = arith.constant 0 : index
    %swap3A_432 = tpu.vector_load %arg10[%swap3A_431] {strides = array<i32>} : memref<16xf32, #tpu.memory_space<vmem>>, vector<16xf32>,
    %swap3A_433 = vector.shape_cast %swap3A_432 : vector<16xf32> to vector<16xf32>
    %swap3A_434 = vector.shape_cast %broadcast_in_dim3A_430 : vector<16xf32> to vector<16xf32>
    tpu.vector_store %arg10[%swap3A_431], %swap3A_434 {strides = array<i32>} : memref<16xf32, #tpu.memory_space<vmem>>, vector<16xf32>,
    %add3A_435 = arith.constant 1 : i32
    %add3A_436 = arith.addi %mul3A_2, %add3A_435 : i32
    "tpu.region"() ({
      %run_scoped3A = tpu.sem_alloc : memref<!tpu.dma_semaphore, #tpu.memory_space<semaphore_mem>>
      %dma_start3A_637 = arith.constant 0 : i32
      %dma_start3A_638 = tpu.memref_slice %arg5[%add3A_436, %dma_start3A_637] : memref<64x16xf32, #tpu.memory_space<hbm>> -> memref<1x16xf32, #tpu.memory_space<hbm>>
      %dma_start3A_639 = tpu.memref_squeeze %dma_start3A_638 : memref<1x16xf32, #tpu.memory_space<hbm>> -> memref<16xf32, #tpu.memory_space<hbm>>
      %dma_start3A_640 = arith.constant 0 : i32
      %dma_start3A_641 = tpu.memref_slice %arg5[%add3A_436, %dma_start3A_640] : memref<64x16xf32, #tpu.memory_space<hbm>> -> memref<1x16xf32, #tpu.memory_space<hbm>>
      %dma_start3A_642 = tpu.memref_squeeze %dma_start3A_641 : memref<1x16xf32, #tpu.memory_space<hbm>> -> memref<16xf32, #tpu.memory_space<hbm>>
      tpu.enqueue_dma source(%arg10 : memref<16xf32, #tpu.memory_space<vmem>>) target(%dma_start3A_642 : memref<16xf32, #tpu.memory_space<hbm>>) target_semaphore(%run_scoped3A : memref<!tpu.dma_semaphore, #tpu.memory_space<semaphore_mem>>)
      %dma_wait3A_643 = arith.constant 0 : i32
      %dma_wait3A_644 = tpu.memref_slice %arg5[%add3A_436, %dma_wait3A_643] : memref<64x16xf32, #tpu.memory_space<hbm>> -> memref<1x16xf32, #tpu.memory_space<hbm>>
      %dma_wait3A_645 = tpu.memref_squeeze %dma_wait3A_644 : memref<1x16xf32, #tpu.memory_space<hbm>> -> memref<16xf32, #tpu.memory_space<hbm>>
      %dma_wait3A_646 = arith.constant 0 : i32
      %dma_wait3A_647 = tpu.memref_slice %arg5[%add3A_436, %dma_wait3A_646] : memref<64x16xf32, #tpu.memory_space<hbm>> -> memref<1x16xf32, #tpu.memory_space<hbm>>
      %dma_wait3A_648 = tpu.memref_squeeze %dma_wait3A_647 : memref<1x16xf32, #tpu.memory_space<hbm>> -> memref<16xf32, #tpu.memory_space<hbm>>
      tpu.wait_dma2 semaphore(%run_scoped3A : memref<!tpu.dma_semaphore, #tpu.memory_space<semaphore_mem>>) src(%arg10 : memref<16xf32, #tpu.memory_space<vmem>>) dst(%dma_wait3A_648 : memref<16xf32, #tpu.memory_space<hbm>>)
      tpu.yield
    }) : () -> ()
    %broadcast_in_dim3A_437 = arith.constant 0.000000e+00 : f32
    %broadcast_in_dim3A_438 = vector.broadcast %broadcast_in_dim3A_437 : f32 to vector<16xf32>
    %broadcast_in_dim3A_439 = arith.constant 0.000000e+00 : f32
    %broadcast_in_dim3A_440 = vector.broadcast %broadcast_in_dim3A_439 : f32 to vector<16xf32>
    %broadcast_in_dim3A_441 = arith.constant 0.000000e+00 : f32
    %broadcast_in_dim3A_442 = vector.broadcast %broadcast_in_dim3A_441 : f32 to vector<16xf32>
    %broadcast_in_dim3A_443 = arith.constant 0.000000e+00 : f32
    %broadcast_in_dim3A_444 = vector.broadcast %broadcast_in_dim3A_443 : f32 to vector<16xf32>
    %broadcast_in_dim3A_445 = arith.constant 0.000000e+00 : f32
    %broadcast_in_dim3A_446 = vector.broadcast %broadcast_in_dim3A_445 : f32 to vector<16xf32>
    %broadcast_in_dim3A_447 = arith.constant 0.000000e+00 : f32
    %broadcast_in_dim3A_448 = vector.broadcast %broadcast_in_dim3A_447 : f32 to vector<16xf32>
    %broadcast_in_dim3A_449 = arith.constant 0.000000e+00 : f32
    %broadcast_in_dim3A_450 = vector.broadcast %broadcast_in_dim3A_449 : f32 to vector<16xf32>
    %broadcast_in_dim3A_451 = arith.constant 0.000000e+00 : f32
    %broadcast_in_dim3A_452 = vector.broadcast %broadcast_in_dim3A_451 : f32 to vector<16xf32>
    %broadcast_in_dim3A_453 = arith.constant 0.000000e+00 : f32
    %broadcast_in_dim3A_454 = vector.broadcast %broadcast_in_dim3A_453 : f32 to vector<16xf32>
    %broadcast_in_dim3A_455 = arith.constant 0.000000e+00 : f32
    %broadcast_in_dim3A_456 = vector.broadcast %broadcast_in_dim3A_455 : f32 to vector<16xf32>
    %broadcast_in_dim3A_457 = arith.constant 0.000000e+00 : f32
    %broadcast_in_dim3A_458 = vector.broadcast %broadcast_in_dim3A_457 : f32 to vector<16xf32>
    %broadcast_in_dim3A_459 = arith.constant 0.000000e+00 : f32
    %broadcast_in_dim3A_460 = vector.broadcast %broadcast_in_dim3A_459 : f32 to vector<16xf32>
    %broadcast_in_dim3A_461 = arith.constant 0.000000e+00 : f32
    %broadcast_in_dim3A_462 = vector.broadcast %broadcast_in_dim3A_461 : f32 to vector<16xf32>
    %broadcast_in_dim3A_463 = arith.constant 0.000000e+00 : f32
    %broadcast_in_dim3A_464 = vector.broadcast %broadcast_in_dim3A_463 : f32 to vector<16xf32>
    %broadcast_in_dim3A_465 = arith.constant 0.000000e+00 : f32
    %broadcast_in_dim3A_466 = vector.broadcast %broadcast_in_dim3A_465 : f32 to vector<16xf32>
    %broadcast_in_dim3A_467 = arith.constant 0.000000e+00 : f32
    %broadcast_in_dim3A_468 = vector.broadcast %broadcast_in_dim3A_467 : f32 to vector<16xf32>
    %broadcast_in_dim3A_469 = arith.constant 0.000000e+00 : f32
    %broadcast_in_dim3A_470 = vector.broadcast %broadcast_in_dim3A_469 : f32 to vector<16xf32>
    %broadcast_in_dim3A_471 = arith.constant 0.000000e+00 : f32
    %broadcast_in_dim3A_472 = vector.broadcast %broadcast_in_dim3A_471 : f32 to vector<16xf32>
    %broadcast_in_dim3A_473 = arith.constant 0.000000e+00 : f32
    %broadcast_in_dim3A_474 = vector.broadcast %broadcast_in_dim3A_473 : f32 to vector<16xf32>
    %broadcast_in_dim3A_475 = arith.constant 0.000000e+00 : f32
    %broadcast_in_dim3A_476 = vector.broadcast %broadcast_in_dim3A_475 : f32 to vector<16xf32>
    %broadcast_in_dim3A_477 = arith.constant 0.000000e+00 : f32
    %broadcast_in_dim3A_478 = vector.broadcast %broadcast_in_dim3A_477 : f32 to vector<16xf32>
    %broadcast_in_dim3A_479 = arith.constant 0.000000e+00 : f32
    %broadcast_in_dim3A_480 = vector.broadcast %broadcast_in_dim3A_479 : f32 to vector<16xf32>
    %broadcast_in_dim3A_481 = arith.constant 0.000000e+00 : f32
    %broadcast_in_dim3A_482 = vector.broadcast %broadcast_in_dim3A_481 : f32 to vector<16xf32>
    %broadcast_in_dim3A_483 = arith.constant 0.000000e+00 : f32
    %broadcast_in_dim3A_484 = vector.broadcast %broadcast_in_dim3A_483 : f32 to vector<16xf32>
    %broadcast_in_dim3A_485 = arith.constant 0.000000e+00 : f32
    %broadcast_in_dim3A_486 = vector.broadcast %broadcast_in_dim3A_485 : f32 to vector<16xf32>
    %broadcast_in_dim3A_487 = arith.constant 0.000000e+00 : f32
    %broadcast_in_dim3A_488 = vector.broadcast %broadcast_in_dim3A_487 : f32 to vector<16xf32>
    %broadcast_in_dim3A_489 = arith.constant 0.000000e+00 : f32
    %broadcast_in_dim3A_490 = vector.broadcast %broadcast_in_dim3A_489 : f32 to vector<16xf32>
    %broadcast_in_dim3A_491 = arith.constant 0.000000e+00 : f32
    %broadcast_in_dim3A_492 = vector.broadcast %broadcast_in_dim3A_491 : f32 to vector<16xf32>
    %broadcast_in_dim3A_493 = arith.constant 0.000000e+00 : f32
    %broadcast_in_dim3A_494 = vector.broadcast %broadcast_in_dim3A_493 : f32 to vector<16xf32>
    %broadcast_in_dim3A_495 = arith.constant 0.000000e+00 : f32
    %broadcast_in_dim3A_496 = vector.broadcast %broadcast_in_dim3A_495 : f32 to vector<16xf32>
    %broadcast_in_dim3A_497 = arith.constant 0.000000e+00 : f32
    %broadcast_in_dim3A_498 = vector.broadcast %broadcast_in_dim3A_497 : f32 to vector<16xf32>
    %broadcast_in_dim3A_499 = arith.constant 0.000000e+00 : f32
    %broadcast_in_dim3A_500 = vector.broadcast %broadcast_in_dim3A_499 : f32 to vector<16xf32>
    %scan3A_501 = arith.constant 0 : i32
    %scan3A_502 = arith.constant 20 : i32
    %scan3A_503 = arith.addi %scan3A_501, %scan3A_502 : i32
    %scan3A_504 = arith.constant 1 : i32
    %scan3A_505:32 = scf.for %scan3A_637 = %scan3A_501 to %scan3A_503 step %scan3A_504 iter_args(%scan3A_638 = %broadcast_in_dim3A_438, %scan3A_639 = %broadcast_in_dim3A_440, %scan3A_640 = %broadcast_in_dim3A_442, %scan3A_641 = %broadcast_in_dim3A_444, %scan3A_642 = %broadcast_in_dim3A_446, %scan3A_643 = %broadcast_in_dim3A_448, %scan3A_644 = %broadcast_in_dim3A_450, %scan3A_645 = %broadcast_in_dim3A_452, %scan3A_646 = %broadcast_in_dim3A_454, %scan3A_647 = %broadcast_in_dim3A_456, %scan3A_648 = %broadcast_in_dim3A_458, %scan3A_649 = %broadcast_in_dim3A_460, %scan3A_650 = %broadcast_in_dim3A_462, %scan3A_651 = %broadcast_in_dim3A_464, %scan3A_652 = %broadcast_in_dim3A_466, %scan3A_653 = %broadcast_in_dim3A_468, %scan3A_654 = %broadcast_in_dim3A_470, %scan3A_655 = %broadcast_in_dim3A_472, %scan3A_656 = %broadcast_in_dim3A_474, %scan3A_657 = %broadcast_in_dim3A_476, %scan3A_658 = %broadcast_in_dim3A_478, %scan3A_659 = %broadcast_in_dim3A_480, %scan3A_660 = %broadcast_in_dim3A_482, %scan3A_661 = %broadcast_in_dim3A_484, %scan3A_662 = %broadcast_in_dim3A_486, %scan3A_663 = %broadcast_in_dim3A_488, %scan3A_664 = %broadcast_in_dim3A_490, %scan3A_665 = %broadcast_in_dim3A_492, %scan3A_666 = %broadcast_in_dim3A_494, %scan3A_667 = %broadcast_in_dim3A_496, %scan3A_668 = %broadcast_in_dim3A_498, %scan3A_669 = %broadcast_in_dim3A_500) -> (vector<16xf32>, vector<16xf32>, vector<16xf32>, vector<16xf32>, vector<16xf32>, vector<16xf32>, vector<16xf32>, vector<16xf32>, vector<16xf32>, vector<16xf32>, vector<16xf32>, vector<16xf32>, vector<16xf32>, vector<16xf32>, vector<16xf32>, vector<16xf32>, vector<16xf32>, vector<16xf32>, vector<16xf32>, vector<16xf32>, vector<16xf32>, vector<16xf32>, vector<16xf32>, vector<16xf32>, vector<16xf32>, vector<16xf32>, vector<16xf32>, vector<16xf32>, vector<16xf32>, vector<16xf32>, vector<16xf32>, vector<16xf32>)  : i32 {
      %get3A_670 = arith.constant 0 : i32
      %get3A_671 = arith.index_cast %scan3A_637 : i32 to index
      %get3A_672 = arith.index_cast %get3A_670 : i32 to index
      %get3A_673 = arith.constant 0 : index
      %get3A_674 = tpu.vector_load %arg7[%get3A_671, %get3A_672, %get3A_673] {strides = array<i32>} : memref<20x1x512xf32, #tpu.memory_space<vmem>>, vector<1x1x16xf32>,
      %get3A_675 = vector.shape_cast %get3A_674 : vector<1x1x16xf32> to vector<16xf32>
      %add3A_676 = arith.addf %scan3A_638, %get3A_675 : vector<16xf32>
      %get3A_677 = arith.constant 0 : i32
      %get3A_678 = arith.index_cast %scan3A_637 : i32 to index
      %get3A_679 = arith.index_cast %get3A_677 : i32 to index
      %get3A_680 = arith.constant 16 : index
      %get3A_681 = tpu.vector_load %arg7[%get3A_678, %get3A_679, %get3A_680] {strides = array<i32>} : memref<20x1x512xf32, #tpu.memory_space<vmem>>, vector<1x1x16xf32>,
      %get3A_682 = vector.shape_cast %get3A_681 : vector<1x1x16xf32> to vector<16xf32>
      %add3A_683 = arith.addf %scan3A_639, %get3A_682 : vector<16xf32>
      %get3A_684 = arith.constant 0 : i32
      %get3A_685 = arith.index_cast %scan3A_637 : i32 to index
      %get3A_686 = arith.index_cast %get3A_684 : i32 to index
      %get3A_687 = arith.constant 32 : index
      %get3A_688 = tpu.vector_load %arg7[%get3A_685, %get3A_686, %get3A_687] {strides = array<i32>} : memref<20x1x512xf32, #tpu.memory_space<vmem>>, vector<1x1x16xf32>,
      %get3A_689 = vector.shape_cast %get3A_688 : vector<1x1x16xf32> to vector<16xf32>
      %add3A_690 = arith.addf %scan3A_640, %get3A_689 : vector<16xf32>
      %get3A_691 = arith.constant 0 : i32
      %get3A_692 = arith.index_cast %scan3A_637 : i32 to index
      %get3A_693 = arith.index_cast %get3A_691 : i32 to index
      %get3A_694 = arith.constant 48 : index
      %get3A_695 = tpu.vector_load %arg7[%get3A_692, %get3A_693, %get3A_694] {strides = array<i32>} : memref<20x1x512xf32, #tpu.memory_space<vmem>>, vector<1x1x16xf32>,
      %get3A_696 = vector.shape_cast %get3A_695 : vector<1x1x16xf32> to vector<16xf32>
      %add3A_697 = arith.addf %scan3A_641, %get3A_696 : vector<16xf32>
      %get3A_698 = arith.constant 0 : i32
      %get3A_699 = arith.index_cast %scan3A_637 : i32 to index
      %get3A_700 = arith.index_cast %get3A_698 : i32 to index
      %get3A_701 = arith.constant 64 : index
      %get3A_702 = tpu.vector_load %arg7[%get3A_699, %get3A_700, %get3A_701] {strides = array<i32>} : memref<20x1x512xf32, #tpu.memory_space<vmem>>, vector<1x1x16xf32>,
      %get3A_703 = vector.shape_cast %get3A_702 : vector<1x1x16xf32> to vector<16xf32>
      %add3A_704 = arith.addf %scan3A_642, %get3A_703 : vector<16xf32>
      %get3A_705 = arith.constant 0 : i32
      %get3A_706 = arith.index_cast %scan3A_637 : i32 to index
      %get3A_707 = arith.index_cast %get3A_705 : i32 to index
      %get3A_708 = arith.constant 80 : index
      %get3A_709 = tpu.vector_load %arg7[%get3A_706, %get3A_707, %get3A_708] {strides = array<i32>} : memref<20x1x512xf32, #tpu.memory_space<vmem>>, vector<1x1x16xf32>,
      %get3A_710 = vector.shape_cast %get3A_709 : vector<1x1x16xf32> to vector<16xf32>
      %add3A_711 = arith.addf %scan3A_643, %get3A_710 : vector<16xf32>
      %get3A_712 = arith.constant 0 : i32
      %get3A_713 = arith.index_cast %scan3A_637 : i32 to index
      %get3A_714 = arith.index_cast %get3A_712 : i32 to index
      %get3A_715 = arith.constant 96 : index
      %get3A_716 = tpu.vector_load %arg7[%get3A_713, %get3A_714, %get3A_715] {strides = array<i32>} : memref<20x1x512xf32, #tpu.memory_space<vmem>>, vector<1x1x16xf32>,
      %get3A_717 = vector.shape_cast %get3A_716 : vector<1x1x16xf32> to vector<16xf32>
      %add3A_718 = arith.addf %scan3A_644, %get3A_717 : vector<16xf32>
      %get3A_719 = arith.constant 0 : i32
      %get3A_720 = arith.index_cast %scan3A_637 : i32 to index
      %get3A_721 = arith.index_cast %get3A_719 : i32 to index
      %get3A_722 = arith.constant 112 : index
      %get3A_723 = tpu.vector_load %arg7[%get3A_720, %get3A_721, %get3A_722] {strides = array<i32>} : memref<20x1x512xf32, #tpu.memory_space<vmem>>, vector<1x1x16xf32>,
      %get3A_724 = vector.shape_cast %get3A_723 : vector<1x1x16xf32> to vector<16xf32>
      %add3A_725 = arith.addf %scan3A_645, %get3A_724 : vector<16xf32>
      %get3A_726 = arith.constant 0 : i32
      %get3A_727 = arith.index_cast %scan3A_637 : i32 to index
      %get3A_728 = arith.index_cast %get3A_726 : i32 to index
      %get3A_729 = arith.constant 128 : index
      %get3A_730 = tpu.vector_load %arg7[%get3A_727, %get3A_728, %get3A_729] {strides = array<i32>} : memref<20x1x512xf32, #tpu.memory_space<vmem>>, vector<1x1x16xf32>,
      %get3A_731 = vector.shape_cast %get3A_730 : vector<1x1x16xf32> to vector<16xf32>
      %add3A_732 = arith.addf %scan3A_646, %get3A_731 : vector<16xf32>
      %get3A_733 = arith.constant 0 : i32
      %get3A_734 = arith.index_cast %scan3A_637 : i32 to index
      %get3A_735 = arith.index_cast %get3A_733 : i32 to index
      %get3A_736 = arith.constant 144 : index
      %get3A_737 = tpu.vector_load %arg7[%get3A_734, %get3A_735, %get3A_736] {strides = array<i32>} : memref<20x1x512xf32, #tpu.memory_space<vmem>>, vector<1x1x16xf32>,
      %get3A_738 = vector.shape_cast %get3A_737 : vector<1x1x16xf32> to vector<16xf32>
      %add3A_739 = arith.addf %scan3A_647, %get3A_738 : vector<16xf32>
      %get3A_740 = arith.constant 0 : i32
      %get3A_741 = arith.index_cast %scan3A_637 : i32 to index
      %get3A_742 = arith.index_cast %get3A_740 : i32 to index
      %get3A_743 = arith.constant 160 : index
      %get3A_744 = tpu.vector_load %arg7[%get3A_741, %get3A_742, %get3A_743] {strides = array<i32>} : memref<20x1x512xf32, #tpu.memory_space<vmem>>, vector<1x1x16xf32>,
      %get3A_745 = vector.shape_cast %get3A_744 : vector<1x1x16xf32> to vector<16xf32>
      %add3A_746 = arith.addf %scan3A_648, %get3A_745 : vector<16xf32>
      %get3A_747 = arith.constant 0 : i32
      %get3A_748 = arith.index_cast %scan3A_637 : i32 to index
      %get3A_749 = arith.index_cast %get3A_747 : i32 to index
      %get3A_750 = arith.constant 176 : index
      %get3A_751 = tpu.vector_load %arg7[%get3A_748, %get3A_749, %get3A_750] {strides = array<i32>} : memref<20x1x512xf32, #tpu.memory_space<vmem>>, vector<1x1x16xf32>,
      %get3A_752 = vector.shape_cast %get3A_751 : vector<1x1x16xf32> to vector<16xf32>
      %add3A_753 = arith.addf %scan3A_649, %get3A_752 : vector<16xf32>
      %get3A_754 = arith.constant 0 : i32
      %get3A_755 = arith.index_cast %scan3A_637 : i32 to index
      %get3A_756 = arith.index_cast %get3A_754 : i32 to index
      %get3A_757 = arith.constant 192 : index
      %get3A_758 = tpu.vector_load %arg7[%get3A_755, %get3A_756, %get3A_757] {strides = array<i32>} : memref<20x1x512xf32, #tpu.memory_space<vmem>>, vector<1x1x16xf32>,
      %get3A_759 = vector.shape_cast %get3A_758 : vector<1x1x16xf32> to vector<16xf32>
      %add3A_760 = arith.addf %scan3A_650, %get3A_759 : vector<16xf32>
      %get3A_761 = arith.constant 0 : i32
      %get3A_762 = arith.index_cast %scan3A_637 : i32 to index
      %get3A_763 = arith.index_cast %get3A_761 : i32 to index
      %get3A_764 = arith.constant 208 : index
      %get3A_765 = tpu.vector_load %arg7[%get3A_762, %get3A_763, %get3A_764] {strides = array<i32>} : memref<20x1x512xf32, #tpu.memory_space<vmem>>, vector<1x1x16xf32>,
      %get3A_766 = vector.shape_cast %get3A_765 : vector<1x1x16xf32> to vector<16xf32>
      %add3A_767 = arith.addf %scan3A_651, %get3A_766 : vector<16xf32>
      %get3A_768 = arith.constant 0 : i32
      %get3A_769 = arith.index_cast %scan3A_637 : i32 to index
      %get3A_770 = arith.index_cast %get3A_768 : i32 to index
      %get3A_771 = arith.constant 224 : index
      %get3A_772 = tpu.vector_load %arg7[%get3A_769, %get3A_770, %get3A_771] {strides = array<i32>} : memref<20x1x512xf32, #tpu.memory_space<vmem>>, vector<1x1x16xf32>,
      %get3A_773 = vector.shape_cast %get3A_772 : vector<1x1x16xf32> to vector<16xf32>
      %add3A_774 = arith.addf %scan3A_652, %get3A_773 : vector<16xf32>
      %get3A_775 = arith.constant 0 : i32
      %get3A_776 = arith.index_cast %scan3A_637 : i32 to index
      %get3A_777 = arith.index_cast %get3A_775 : i32 to index
      %get3A_778 = arith.constant 240 : index
      %get3A_779 = tpu.vector_load %arg7[%get3A_776, %get3A_777, %get3A_778] {strides = array<i32>} : memref<20x1x512xf32, #tpu.memory_space<vmem>>, vector<1x1x16xf32>,
      %get3A_780 = vector.shape_cast %get3A_779 : vector<1x1x16xf32> to vector<16xf32>
      %add3A_781 = arith.addf %scan3A_653, %get3A_780 : vector<16xf32>
      %get3A_782 = arith.constant 0 : i32
      %get3A_783 = arith.index_cast %scan3A_637 : i32 to index
      %get3A_784 = arith.index_cast %get3A_782 : i32 to index
      %get3A_785 = arith.constant 256 : index
      %get3A_786 = tpu.vector_load %arg7[%get3A_783, %get3A_784, %get3A_785] {strides = array<i32>} : memref<20x1x512xf32, #tpu.memory_space<vmem>>, vector<1x1x16xf32>,
      %get3A_787 = vector.shape_cast %get3A_786 : vector<1x1x16xf32> to vector<16xf32>
      %add3A_788 = arith.addf %scan3A_654, %get3A_787 : vector<16xf32>
      %get3A_789 = arith.constant 0 : i32
      %get3A_790 = arith.index_cast %scan3A_637 : i32 to index
      %get3A_791 = arith.index_cast %get3A_789 : i32 to index
      %get3A_792 = arith.constant 272 : index
      %get3A_793 = tpu.vector_load %arg7[%get3A_790, %get3A_791, %get3A_792] {strides = array<i32>} : memref<20x1x512xf32, #tpu.memory_space<vmem>>, vector<1x1x16xf32>,
      %get3A_794 = vector.shape_cast %get3A_793 : vector<1x1x16xf32> to vector<16xf32>
      %add3A_795 = arith.addf %scan3A_655, %get3A_794 : vector<16xf32>
      %get3A_796 = arith.constant 0 : i32
      %get3A_797 = arith.index_cast %scan3A_637 : i32 to index
      %get3A_798 = arith.index_cast %get3A_796 : i32 to index
      %get3A_799 = arith.constant 288 : index
      %get3A_800 = tpu.vector_load %arg7[%get3A_797, %get3A_798, %get3A_799] {strides = array<i32>} : memref<20x1x512xf32, #tpu.memory_space<vmem>>, vector<1x1x16xf32>,
      %get3A_801 = vector.shape_cast %get3A_800 : vector<1x1x16xf32> to vector<16xf32>
      %add3A_802 = arith.addf %scan3A_656, %get3A_801 : vector<16xf32>
      %get3A_803 = arith.constant 0 : i32
      %get3A_804 = arith.index_cast %scan3A_637 : i32 to index
      %get3A_805 = arith.index_cast %get3A_803 : i32 to index
      %get3A_806 = arith.constant 304 : index
      %get3A_807 = tpu.vector_load %arg7[%get3A_804, %get3A_805, %get3A_806] {strides = array<i32>} : memref<20x1x512xf32, #tpu.memory_space<vmem>>, vector<1x1x16xf32>,
      %get3A_808 = vector.shape_cast %get3A_807 : vector<1x1x16xf32> to vector<16xf32>
      %add3A_809 = arith.addf %scan3A_657, %get3A_808 : vector<16xf32>
      %get3A_810 = arith.constant 0 : i32
      %get3A_811 = arith.index_cast %scan3A_637 : i32 to index
      %get3A_812 = arith.index_cast %get3A_810 : i32 to index
      %get3A_813 = arith.constant 320 : index
      %get3A_814 = tpu.vector_load %arg7[%get3A_811, %get3A_812, %get3A_813] {strides = array<i32>} : memref<20x1x512xf32, #tpu.memory_space<vmem>>, vector<1x1x16xf32>,
      %get3A_815 = vector.shape_cast %get3A_814 : vector<1x1x16xf32> to vector<16xf32>
      %add3A_816 = arith.addf %scan3A_658, %get3A_815 : vector<16xf32>
      %get3A_817 = arith.constant 0 : i32
      %get3A_818 = arith.index_cast %scan3A_637 : i32 to index
      %get3A_819 = arith.index_cast %get3A_817 : i32 to index
      %get3A_820 = arith.constant 336 : index
      %get3A_821 = tpu.vector_load %arg7[%get3A_818, %get3A_819, %get3A_820] {strides = array<i32>} : memref<20x1x512xf32, #tpu.memory_space<vmem>>, vector<1x1x16xf32>,
      %get3A_822 = vector.shape_cast %get3A_821 : vector<1x1x16xf32> to vector<16xf32>
      %add3A_823 = arith.addf %scan3A_659, %get3A_822 : vector<16xf32>
      %get3A_824 = arith.constant 0 : i32
      %get3A_825 = arith.index_cast %scan3A_637 : i32 to index
      %get3A_826 = arith.index_cast %get3A_824 : i32 to index
      %get3A_827 = arith.constant 352 : index
      %get3A_828 = tpu.vector_load %arg7[%get3A_825, %get3A_826, %get3A_827] {strides = array<i32>} : memref<20x1x512xf32, #tpu.memory_space<vmem>>, vector<1x1x16xf32>,
      %get3A_829 = vector.shape_cast %get3A_828 : vector<1x1x16xf32> to vector<16xf32>
      %add3A_830 = arith.addf %scan3A_660, %get3A_829 : vector<16xf32>
      %get3A_831 = arith.constant 0 : i32
      %get3A_832 = arith.index_cast %scan3A_637 : i32 to index
      %get3A_833 = arith.index_cast %get3A_831 : i32 to index
      %get3A_834 = arith.constant 368 : index
      %get3A_835 = tpu.vector_load %arg7[%get3A_832, %get3A_833, %get3A_834] {strides = array<i32>} : memref<20x1x512xf32, #tpu.memory_space<vmem>>, vector<1x1x16xf32>,
      %get3A_836 = vector.shape_cast %get3A_835 : vector<1x1x16xf32> to vector<16xf32>
      %add3A_837 = arith.addf %scan3A_661, %get3A_836 : vector<16xf32>
      %get3A_838 = arith.constant 0 : i32
      %get3A_839 = arith.index_cast %scan3A_637 : i32 to index
      %get3A_840 = arith.index_cast %get3A_838 : i32 to index
      %get3A_841 = arith.constant 384 : index
      %get3A_842 = tpu.vector_load %arg7[%get3A_839, %get3A_840, %get3A_841] {strides = array<i32>} : memref<20x1x512xf32, #tpu.memory_space<vmem>>, vector<1x1x16xf32>,
      %get3A_843 = vector.shape_cast %get3A_842 : vector<1x1x16xf32> to vector<16xf32>
      %add3A_844 = arith.addf %scan3A_662, %get3A_843 : vector<16xf32>
      %get3A_845 = arith.constant 0 : i32
      %get3A_846 = arith.index_cast %scan3A_637 : i32 to index
      %get3A_847 = arith.index_cast %get3A_845 : i32 to index
      %get3A_848 = arith.constant 400 : index
      %get3A_849 = tpu.vector_load %arg7[%get3A_846, %get3A_847, %get3A_848] {strides = array<i32>} : memref<20x1x512xf32, #tpu.memory_space<vmem>>, vector<1x1x16xf32>,
      %get3A_850 = vector.shape_cast %get3A_849 : vector<1x1x16xf32> to vector<16xf32>
      %add3A_851 = arith.addf %scan3A_663, %get3A_850 : vector<16xf32>
      %get3A_852 = arith.constant 0 : i32
      %get3A_853 = arith.index_cast %scan3A_637 : i32 to index
      %get3A_854 = arith.index_cast %get3A_852 : i32 to index
      %get3A_855 = arith.constant 416 : index
      %get3A_856 = tpu.vector_load %arg7[%get3A_853, %get3A_854, %get3A_855] {strides = array<i32>} : memref<20x1x512xf32, #tpu.memory_space<vmem>>, vector<1x1x16xf32>,
      %get3A_857 = vector.shape_cast %get3A_856 : vector<1x1x16xf32> to vector<16xf32>
      %add3A_858 = arith.addf %scan3A_664, %get3A_857 : vector<16xf32>
      %get3A_859 = arith.constant 0 : i32
      %get3A_860 = arith.index_cast %scan3A_637 : i32 to index
      %get3A_861 = arith.index_cast %get3A_859 : i32 to index
      %get3A_862 = arith.constant 432 : index
      %get3A_863 = tpu.vector_load %arg7[%get3A_860, %get3A_861, %get3A_862] {strides = array<i32>} : memref<20x1x512xf32, #tpu.memory_space<vmem>>, vector<1x1x16xf32>,
      %get3A_864 = vector.shape_cast %get3A_863 : vector<1x1x16xf32> to vector<16xf32>
      %add3A_865 = arith.addf %scan3A_665, %get3A_864 : vector<16xf32>
      %get3A_866 = arith.constant 0 : i32
      %get3A_867 = arith.index_cast %scan3A_637 : i32 to index
      %get3A_868 = arith.index_cast %get3A_866 : i32 to index
      %get3A_869 = arith.constant 448 : index
      %get3A_870 = tpu.vector_load %arg7[%get3A_867, %get3A_868, %get3A_869] {strides = array<i32>} : memref<20x1x512xf32, #tpu.memory_space<vmem>>, vector<1x1x16xf32>,
      %get3A_871 = vector.shape_cast %get3A_870 : vector<1x1x16xf32> to vector<16xf32>
      %add3A_872 = arith.addf %scan3A_666, %get3A_871 : vector<16xf32>
      %get3A_873 = arith.constant 0 : i32
      %get3A_874 = arith.index_cast %scan3A_637 : i32 to index
      %get3A_875 = arith.index_cast %get3A_873 : i32 to index
      %get3A_876 = arith.constant 464 : index
      %get3A_877 = tpu.vector_load %arg7[%get3A_874, %get3A_875, %get3A_876] {strides = array<i32>} : memref<20x1x512xf32, #tpu.memory_space<vmem>>, vector<1x1x16xf32>,
      %get3A_878 = vector.shape_cast %get3A_877 : vector<1x1x16xf32> to vector<16xf32>
      %add3A_879 = arith.addf %scan3A_667, %get3A_878 : vector<16xf32>
      %get3A_880 = arith.constant 0 : i32
      %get3A_881 = arith.index_cast %scan3A_637 : i32 to index
      %get3A_882 = arith.index_cast %get3A_880 : i32 to index
      %get3A_883 = arith.constant 480 : index
      %get3A_884 = tpu.vector_load %arg7[%get3A_881, %get3A_882, %get3A_883] {strides = array<i32>} : memref<20x1x512xf32, #tpu.memory_space<vmem>>, vector<1x1x16xf32>,
      %get3A_885 = vector.shape_cast %get3A_884 : vector<1x1x16xf32> to vector<16xf32>
      %add3A_886 = arith.addf %scan3A_668, %get3A_885 : vector<16xf32>
      %get3A_887 = arith.constant 0 : i32
      %get3A_888 = arith.index_cast %scan3A_637 : i32 to index
      %get3A_889 = arith.index_cast %get3A_887 : i32 to index
      %get3A_890 = arith.constant 496 : index
      %get3A_891 = tpu.vector_load %arg7[%get3A_888, %get3A_889, %get3A_890] {strides = array<i32>} : memref<20x1x512xf32, #tpu.memory_space<vmem>>, vector<1x1x16xf32>,
      %get3A_892 = vector.shape_cast %get3A_891 : vector<1x1x16xf32> to vector<16xf32>
      %add3A_893 = arith.addf %scan3A_669, %get3A_892 : vector<16xf32>
      scf.yield %add3A_676, %add3A_683, %add3A_690, %add3A_697, %add3A_704, %add3A_711, %add3A_718, %add3A_725, %add3A_732, %add3A_739, %add3A_746, %add3A_753, %add3A_760, %add3A_767, %add3A_774, %add3A_781, %add3A_788, %add3A_795, %add3A_802, %add3A_809, %add3A_816, %add3A_823, %add3A_830, %add3A_837, %add3A_844, %add3A_851, %add3A_858, %add3A_865, %add3A_872, %add3A_879, %add3A_886, %add3A_893 : vector<16xf32>, vector<16xf32>, vector<16xf32>, vector<16xf32>, vector<16xf32>, vector<16xf32>, vector<16xf32>, vector<16xf32>, vector<16xf32>, vector<16xf32>, vector<16xf32>, vector<16xf32>, vector<16xf32>, vector<16xf32>, vector<16xf32>, vector<16xf32>, vector<16xf32>, vector<16xf32>, vector<16xf32>, vector<16xf32>, vector<16xf32>, vector<16xf32>, vector<16xf32>, vector<16xf32>, vector<16xf32>, vector<16xf32>, vector<16xf32>, vector<16xf32>, vector<16xf32>, vector<16xf32>, vector<16xf32>, vector<16xf32>
    }
    %scan3A_506 = arith.constant 20 : i32
    %swap3A_507 = arith.constant 0 : index
    %swap3A_508 = tpu.vector_load %arg9[%swap3A_507] {strides = array<i32>} : memref<512xf32, #tpu.memory_space<vmem>>, vector<16xf32>,
    %swap3A_509 = vector.shape_cast %swap3A_508 : vector<16xf32> to vector<16xf32>
    %swap3A_510 = vector.shape_cast %scan3A_505#0 : vector<16xf32> to vector<16xf32>
    tpu.vector_store %arg9[%swap3A_507], %swap3A_510 {strides = array<i32>} : memref<512xf32, #tpu.memory_space<vmem>>, vector<16xf32>,
    %swap3A_511 = arith.constant 16 : index
    %swap3A_512 = tpu.vector_load %arg9[%swap3A_511] {strides = array<i32>} : memref<512xf32, #tpu.memory_space<vmem>>, vector<16xf32>,
    %swap3A_513 = vector.shape_cast %swap3A_512 : vector<16xf32> to vector<16xf32>
    %swap3A_514 = vector.shape_cast %scan3A_505#1 : vector<16xf32> to vector<16xf32>
    tpu.vector_store %arg9[%swap3A_511], %swap3A_514 {strides = array<i32>} : memref<512xf32, #tpu.memory_space<vmem>>, vector<16xf32>,
    %swap3A_515 = arith.constant 32 : index
    %swap3A_516 = tpu.vector_load %arg9[%swap3A_515] {strides = array<i32>} : memref<512xf32, #tpu.memory_space<vmem>>, vector<16xf32>,
    %swap3A_517 = vector.shape_cast %swap3A_516 : vector<16xf32> to vector<16xf32>
    %swap3A_518 = vector.shape_cast %scan3A_505#2 : vector<16xf32> to vector<16xf32>
    tpu.vector_store %arg9[%swap3A_515], %swap3A_518 {strides = array<i32>} : memref<512xf32, #tpu.memory_space<vmem>>, vector<16xf32>,
    %swap3A_519 = arith.constant 48 : index
    %swap3A_520 = tpu.vector_load %arg9[%swap3A_519] {strides = array<i32>} : memref<512xf32, #tpu.memory_space<vmem>>, vector<16xf32>,
    %swap3A_521 = vector.shape_cast %swap3A_520 : vector<16xf32> to vector<16xf32>
    %swap3A_522 = vector.shape_cast %scan3A_505#3 : vector<16xf32> to vector<16xf32>
    tpu.vector_store %arg9[%swap3A_519], %swap3A_522 {strides = array<i32>} : memref<512xf32, #tpu.memory_space<vmem>>, vector<16xf32>,
    %swap3A_523 = arith.constant 64 : index
    %swap3A_524 = tpu.vector_load %arg9[%swap3A_523] {strides = array<i32>} : memref<512xf32, #tpu.memory_space<vmem>>, vector<16xf32>,
    %swap3A_525 = vector.shape_cast %swap3A_524 : vector<16xf32> to vector<16xf32>
    %swap3A_526 = vector.shape_cast %scan3A_505#4 : vector<16xf32> to vector<16xf32>
    tpu.vector_store %arg9[%swap3A_523], %swap3A_526 {strides = array<i32>} : memref<512xf32, #tpu.memory_space<vmem>>, vector<16xf32>,
    %swap3A_527 = arith.constant 80 : index
    %swap3A_528 = tpu.vector_load %arg9[%swap3A_527] {strides = array<i32>} : memref<512xf32, #tpu.memory_space<vmem>>, vector<16xf32>,
    %swap3A_529 = vector.shape_cast %swap3A_528 : vector<16xf32> to vector<16xf32>
    %swap3A_530 = vector.shape_cast %scan3A_505#5 : vector<16xf32> to vector<16xf32>
    tpu.vector_store %arg9[%swap3A_527], %swap3A_530 {strides = array<i32>} : memref<512xf32, #tpu.memory_space<vmem>>, vector<16xf32>,
    %swap3A_531 = arith.constant 96 : index
    %swap3A_532 = tpu.vector_load %arg9[%swap3A_531] {strides = array<i32>} : memref<512xf32, #tpu.memory_space<vmem>>, vector<16xf32>,
    %swap3A_533 = vector.shape_cast %swap3A_532 : vector<16xf32> to vector<16xf32>
    %swap3A_534 = vector.shape_cast %scan3A_505#6 : vector<16xf32> to vector<16xf32>
    tpu.vector_store %arg9[%swap3A_531], %swap3A_534 {strides = array<i32>} : memref<512xf32, #tpu.memory_space<vmem>>, vector<16xf32>,
    %swap3A_535 = arith.constant 112 : index
    %swap3A_536 = tpu.vector_load %arg9[%swap3A_535] {strides = array<i32>} : memref<512xf32, #tpu.memory_space<vmem>>, vector<16xf32>,
    %swap3A_537 = vector.shape_cast %swap3A_536 : vector<16xf32> to vector<16xf32>
    %swap3A_538 = vector.shape_cast %scan3A_505#7 : vector<16xf32> to vector<16xf32>
    tpu.vector_store %arg9[%swap3A_535], %swap3A_538 {strides = array<i32>} : memref<512xf32, #tpu.memory_space<vmem>>, vector<16xf32>,
    %swap3A_539 = arith.constant 128 : index
    %swap3A_540 = tpu.vector_load %arg9[%swap3A_539] {strides = array<i32>} : memref<512xf32, #tpu.memory_space<vmem>>, vector<16xf32>,
    %swap3A_541 = vector.shape_cast %swap3A_540 : vector<16xf32> to vector<16xf32>
    %swap3A_542 = vector.shape_cast %scan3A_505#8 : vector<16xf32> to vector<16xf32>
    tpu.vector_store %arg9[%swap3A_539], %swap3A_542 {strides = array<i32>} : memref<512xf32, #tpu.memory_space<vmem>>, vector<16xf32>,
    %swap3A_543 = arith.constant 144 : index
    %swap3A_544 = tpu.vector_load %arg9[%swap3A_543] {strides = array<i32>} : memref<512xf32, #tpu.memory_space<vmem>>, vector<16xf32>,
    %swap3A_545 = vector.shape_cast %swap3A_544 : vector<16xf32> to vector<16xf32>
    %swap3A_546 = vector.shape_cast %scan3A_505#9 : vector<16xf32> to vector<16xf32>
    tpu.vector_store %arg9[%swap3A_543], %swap3A_546 {strides = array<i32>} : memref<512xf32, #tpu.memory_space<vmem>>, vector<16xf32>,
    %swap3A_547 = arith.constant 160 : index
    %swap3A_548 = tpu.vector_load %arg9[%swap3A_547] {strides = array<i32>} : memref<512xf32, #tpu.memory_space<vmem>>, vector<16xf32>,
    %swap3A_549 = vector.shape_cast %swap3A_548 : vector<16xf32> to vector<16xf32>
    %swap3A_550 = vector.shape_cast %scan3A_505#10 : vector<16xf32> to vector<16xf32>
    tpu.vector_store %arg9[%swap3A_547], %swap3A_550 {strides = array<i32>} : memref<512xf32, #tpu.memory_space<vmem>>, vector<16xf32>,
    %swap3A_551 = arith.constant 176 : index
    %swap3A_552 = tpu.vector_load %arg9[%swap3A_551] {strides = array<i32>} : memref<512xf32, #tpu.memory_space<vmem>>, vector<16xf32>,
    %swap3A_553 = vector.shape_cast %swap3A_552 : vector<16xf32> to vector<16xf32>
    %swap3A_554 = vector.shape_cast %scan3A_505#11 : vector<16xf32> to vector<16xf32>
    tpu.vector_store %arg9[%swap3A_551], %swap3A_554 {strides = array<i32>} : memref<512xf32, #tpu.memory_space<vmem>>, vector<16xf32>,
    %swap3A_555 = arith.constant 192 : index
    %swap3A_556 = tpu.vector_load %arg9[%swap3A_555] {strides = array<i32>} : memref<512xf32, #tpu.memory_space<vmem>>, vector<16xf32>,
    %swap3A_557 = vector.shape_cast %swap3A_556 : vector<16xf32> to vector<16xf32>
    %swap3A_558 = vector.shape_cast %scan3A_505#12 : vector<16xf32> to vector<16xf32>
    tpu.vector_store %arg9[%swap3A_555], %swap3A_558 {strides = array<i32>} : memref<512xf32, #tpu.memory_space<vmem>>, vector<16xf32>,
    %swap3A_559 = arith.constant 208 : index
    %swap3A_560 = tpu.vector_load %arg9[%swap3A_559] {strides = array<i32>} : memref<512xf32, #tpu.memory_space<vmem>>, vector<16xf32>,
    %swap3A_561 = vector.shape_cast %swap3A_560 : vector<16xf32> to vector<16xf32>
    %swap3A_562 = vector.shape_cast %scan3A_505#13 : vector<16xf32> to vector<16xf32>
    tpu.vector_store %arg9[%swap3A_559], %swap3A_562 {strides = array<i32>} : memref<512xf32, #tpu.memory_space<vmem>>, vector<16xf32>,
    %swap3A_563 = arith.constant 224 : index
    %swap3A_564 = tpu.vector_load %arg9[%swap3A_563] {strides = array<i32>} : memref<512xf32, #tpu.memory_space<vmem>>, vector<16xf32>,
    %swap3A_565 = vector.shape_cast %swap3A_564 : vector<16xf32> to vector<16xf32>
    %swap3A_566 = vector.shape_cast %scan3A_505#14 : vector<16xf32> to vector<16xf32>
    tpu.vector_store %arg9[%swap3A_563], %swap3A_566 {strides = array<i32>} : memref<512xf32, #tpu.memory_space<vmem>>, vector<16xf32>,
    %swap3A_567 = arith.constant 240 : index
    %swap3A_568 = tpu.vector_load %arg9[%swap3A_567] {strides = array<i32>} : memref<512xf32, #tpu.memory_space<vmem>>, vector<16xf32>,
    %swap3A_569 = vector.shape_cast %swap3A_568 : vector<16xf32> to vector<16xf32>
    %swap3A_570 = vector.shape_cast %scan3A_505#15 : vector<16xf32> to vector<16xf32>
    tpu.vector_store %arg9[%swap3A_567], %swap3A_570 {strides = array<i32>} : memref<512xf32, #tpu.memory_space<vmem>>, vector<16xf32>,
    %swap3A_571 = arith.constant 256 : index
    %swap3A_572 = tpu.vector_load %arg9[%swap3A_571] {strides = array<i32>} : memref<512xf32, #tpu.memory_space<vmem>>, vector<16xf32>,
    %swap3A_573 = vector.shape_cast %swap3A_572 : vector<16xf32> to vector<16xf32>
    %swap3A_574 = vector.shape_cast %scan3A_505#16 : vector<16xf32> to vector<16xf32>
    tpu.vector_store %arg9[%swap3A_571], %swap3A_574 {strides = array<i32>} : memref<512xf32, #tpu.memory_space<vmem>>, vector<16xf32>,
    %swap3A_575 = arith.constant 272 : index
    %swap3A_576 = tpu.vector_load %arg9[%swap3A_575] {strides = array<i32>} : memref<512xf32, #tpu.memory_space<vmem>>, vector<16xf32>,
    %swap3A_577 = vector.shape_cast %swap3A_576 : vector<16xf32> to vector<16xf32>
    %swap3A_578 = vector.shape_cast %scan3A_505#17 : vector<16xf32> to vector<16xf32>
    tpu.vector_store %arg9[%swap3A_575], %swap3A_578 {strides = array<i32>} : memref<512xf32, #tpu.memory_space<vmem>>, vector<16xf32>,
    %swap3A_579 = arith.constant 288 : index
    %swap3A_580 = tpu.vector_load %arg9[%swap3A_579] {strides = array<i32>} : memref<512xf32, #tpu.memory_space<vmem>>, vector<16xf32>,
    %swap3A_581 = vector.shape_cast %swap3A_580 : vector<16xf32> to vector<16xf32>
    %swap3A_582 = vector.shape_cast %scan3A_505#18 : vector<16xf32> to vector<16xf32>
    tpu.vector_store %arg9[%swap3A_579], %swap3A_582 {strides = array<i32>} : memref<512xf32, #tpu.memory_space<vmem>>, vector<16xf32>,
    %swap3A_583 = arith.constant 304 : index
    %swap3A_584 = tpu.vector_load %arg9[%swap3A_583] {strides = array<i32>} : memref<512xf32, #tpu.memory_space<vmem>>, vector<16xf32>,
    %swap3A_585 = vector.shape_cast %swap3A_584 : vector<16xf32> to vector<16xf32>
    %swap3A_586 = vector.shape_cast %scan3A_505#19 : vector<16xf32> to vector<16xf32>
    tpu.vector_store %arg9[%swap3A_583], %swap3A_586 {strides = array<i32>} : memref<512xf32, #tpu.memory_space<vmem>>, vector<16xf32>,
    %swap3A_587 = arith.constant 320 : index
    %swap3A_588 = tpu.vector_load %arg9[%swap3A_587] {strides = array<i32>} : memref<512xf32, #tpu.memory_space<vmem>>, vector<16xf32>,
    %swap3A_589 = vector.shape_cast %swap3A_588 : vector<16xf32> to vector<16xf32>
    %swap3A_590 = vector.shape_cast %scan3A_505#20 : vector<16xf32> to vector<16xf32>
    tpu.vector_store %arg9[%swap3A_587], %swap3A_590 {strides = array<i32>} : memref<512xf32, #tpu.memory_space<vmem>>, vector<16xf32>,
    %swap3A_591 = arith.constant 336 : index
    %swap3A_592 = tpu.vector_load %arg9[%swap3A_591] {strides = array<i32>} : memref<512xf32, #tpu.memory_space<vmem>>, vector<16xf32>,
    %swap3A_593 = vector.shape_cast %swap3A_592 : vector<16xf32> to vector<16xf32>
    %swap3A_594 = vector.shape_cast %scan3A_505#21 : vector<16xf32> to vector<16xf32>
    tpu.vector_store %arg9[%swap3A_591], %swap3A_594 {strides = array<i32>} : memref<512xf32, #tpu.memory_space<vmem>>, vector<16xf32>,
    %swap3A_595 = arith.constant 352 : index
    %swap3A_596 = tpu.vector_load %arg9[%swap3A_595] {strides = array<i32>} : memref<512xf32, #tpu.memory_space<vmem>>, vector<16xf32>,
    %swap3A_597 = vector.shape_cast %swap3A_596 : vector<16xf32> to vector<16xf32>
    %swap3A_598 = vector.shape_cast %scan3A_505#22 : vector<16xf32> to vector<16xf32>
    tpu.vector_store %arg9[%swap3A_595], %swap3A_598 {strides = array<i32>} : memref<512xf32, #tpu.memory_space<vmem>>, vector<16xf32>,
    %swap3A_599 = arith.constant 368 : index
    %swap3A_600 = tpu.vector_load %arg9[%swap3A_599] {strides = array<i32>} : memref<512xf32, #tpu.memory_space<vmem>>, vector<16xf32>,
    %swap3A_601 = vector.shape_cast %swap3A_600 : vector<16xf32> to vector<16xf32>
    %swap3A_602 = vector.shape_cast %scan3A_505#23 : vector<16xf32> to vector<16xf32>
    tpu.vector_store %arg9[%swap3A_599], %swap3A_602 {strides = array<i32>} : memref<512xf32, #tpu.memory_space<vmem>>, vector<16xf32>,
    %swap3A_603 = arith.constant 384 : index
    %swap3A_604 = tpu.vector_load %arg9[%swap3A_603] {strides = array<i32>} : memref<512xf32, #tpu.memory_space<vmem>>, vector<16xf32>,
    %swap3A_605 = vector.shape_cast %swap3A_604 : vector<16xf32> to vector<16xf32>
    %swap3A_606 = vector.shape_cast %scan3A_505#24 : vector<16xf32> to vector<16xf32>
    tpu.vector_store %arg9[%swap3A_603], %swap3A_606 {strides = array<i32>} : memref<512xf32, #tpu.memory_space<vmem>>, vector<16xf32>,
    %swap3A_607 = arith.constant 400 : index
    %swap3A_608 = tpu.vector_load %arg9[%swap3A_607] {strides = array<i32>} : memref<512xf32, #tpu.memory_space<vmem>>, vector<16xf32>,
    %swap3A_609 = vector.shape_cast %swap3A_608 : vector<16xf32> to vector<16xf32>
    %swap3A_610 = vector.shape_cast %scan3A_505#25 : vector<16xf32> to vector<16xf32>
    tpu.vector_store %arg9[%swap3A_607], %swap3A_610 {strides = array<i32>} : memref<512xf32, #tpu.memory_space<vmem>>, vector<16xf32>,
    %swap3A_611 = arith.constant 416 : index
    %swap3A_612 = tpu.vector_load %arg9[%swap3A_611] {strides = array<i32>} : memref<512xf32, #tpu.memory_space<vmem>>, vector<16xf32>,
    %swap3A_613 = vector.shape_cast %swap3A_612 : vector<16xf32> to vector<16xf32>
    %swap3A_614 = vector.shape_cast %scan3A_505#26 : vector<16xf32> to vector<16xf32>
    tpu.vector_store %arg9[%swap3A_611], %swap3A_614 {strides = array<i32>} : memref<512xf32, #tpu.memory_space<vmem>>, vector<16xf32>,
    %swap3A_615 = arith.constant 432 : index
    %swap3A_616 = tpu.vector_load %arg9[%swap3A_615] {strides = array<i32>} : memref<512xf32, #tpu.memory_space<vmem>>, vector<16xf32>,
    %swap3A_617 = vector.shape_cast %swap3A_616 : vector<16xf32> to vector<16xf32>
    %swap3A_618 = vector.shape_cast %scan3A_505#27 : vector<16xf32> to vector<16xf32>
    tpu.vector_store %arg9[%swap3A_615], %swap3A_618 {strides = array<i32>} : memref<512xf32, #tpu.memory_space<vmem>>, vector<16xf32>,
    %swap3A_619 = arith.constant 448 : index
    %swap3A_620 = tpu.vector_load %arg9[%swap3A_619] {strides = array<i32>} : memref<512xf32, #tpu.memory_space<vmem>>, vector<16xf32>,
    %swap3A_621 = vector.shape_cast %swap3A_620 : vector<16xf32> to vector<16xf32>
    %swap3A_622 = vector.shape_cast %scan3A_505#28 : vector<16xf32> to vector<16xf32>
    tpu.vector_store %arg9[%swap3A_619], %swap3A_622 {strides = array<i32>} : memref<512xf32, #tpu.memory_space<vmem>>, vector<16xf32>,
    %swap3A_623 = arith.constant 464 : index
    %swap3A_624 = tpu.vector_load %arg9[%swap3A_623] {strides = array<i32>} : memref<512xf32, #tpu.memory_space<vmem>>, vector<16xf32>,
    %swap3A_625 = vector.shape_cast %swap3A_624 : vector<16xf32> to vector<16xf32>
    %swap3A_626 = vector.shape_cast %scan3A_505#29 : vector<16xf32> to vector<16xf32>
    tpu.vector_store %arg9[%swap3A_623], %swap3A_626 {strides = array<i32>} : memref<512xf32, #tpu.memory_space<vmem>>, vector<16xf32>,
    %swap3A_627 = arith.constant 480 : index
    %swap3A_628 = tpu.vector_load %arg9[%swap3A_627] {strides = array<i32>} : memref<512xf32, #tpu.memory_space<vmem>>, vector<16xf32>,
    %swap3A_629 = vector.shape_cast %swap3A_628 : vector<16xf32> to vector<16xf32>
    %swap3A_630 = vector.shape_cast %scan3A_505#30 : vector<16xf32> to vector<16xf32>
    tpu.vector_store %arg9[%swap3A_627], %swap3A_630 {strides = array<i32>} : memref<512xf32, #tpu.memory_space<vmem>>, vector<16xf32>,
    %swap3A_631 = arith.constant 496 : index
    %swap3A_632 = tpu.vector_load %arg9[%swap3A_631] {strides = array<i32>} : memref<512xf32, #tpu.memory_space<vmem>>, vector<16xf32>,
    %swap3A_633 = vector.shape_cast %swap3A_632 : vector<16xf32> to vector<16xf32>
    %swap3A_634 = vector.shape_cast %scan3A_505#31 : vector<16xf32> to vector<16xf32>
    tpu.vector_store %arg9[%swap3A_631], %swap3A_634 {strides = array<i32>} : memref<512xf32, #tpu.memory_space<vmem>>, vector<16xf32>,
    %add3A_635 = arith.constant 1 : i32
    %add3A_636 = arith.addi %mul3A_2, %add3A_635 : i32
    "tpu.region"() ({
      %run_scoped3A = tpu.sem_alloc : memref<!tpu.dma_semaphore, #tpu.memory_space<semaphore_mem>>
      %dma_start3A_637 = arith.constant 0 : i32
      %dma_start3A_638 = tpu.memref_slice %arg4[%add3A_636, %dma_start3A_637] : memref<64x512xf32, #tpu.memory_space<hbm>> -> memref<1x512xf32, #tpu.memory_space<hbm>>
      %dma_start3A_639 = tpu.memref_squeeze %dma_start3A_638 : memref<1x512xf32, #tpu.memory_space<hbm>> -> memref<512xf32, #tpu.memory_space<hbm>>
      %dma_start3A_640 = arith.constant 0 : i32
      %dma_start3A_641 = tpu.memref_slice %arg4[%add3A_636, %dma_start3A_640] : memref<64x512xf32, #tpu.memory_space<hbm>> -> memref<1x512xf32, #tpu.memory_space<hbm>>
      %dma_start3A_642 = tpu.memref_squeeze %dma_start3A_641 : memref<1x512xf32, #tpu.memory_space<hbm>> -> memref<512xf32, #tpu.memory_space<hbm>>
      tpu.enqueue_dma source(%arg9 : memref<512xf32, #tpu.memory_space<vmem>>) target(%dma_start3A_642 : memref<512xf32, #tpu.memory_space<hbm>>) target_semaphore(%run_scoped3A : memref<!tpu.dma_semaphore, #tpu.memory_space<semaphore_mem>>)
      %dma_wait3A_643 = arith.constant 0 : i32
      %dma_wait3A_644 = tpu.memref_slice %arg4[%add3A_636, %dma_wait3A_643] : memref<64x512xf32, #tpu.memory_space<hbm>> -> memref<1x512xf32, #tpu.memory_space<hbm>>
      %dma_wait3A_645 = tpu.memref_squeeze %dma_wait3A_644 : memref<1x512xf32, #tpu.memory_space<hbm>> -> memref<512xf32, #tpu.memory_space<hbm>>
      %dma_wait3A_646 = arith.constant 0 : i32
      %dma_wait3A_647 = tpu.memref_slice %arg4[%add3A_636, %dma_wait3A_646] : memref<64x512xf32, #tpu.memory_space<hbm>> -> memref<1x512xf32, #tpu.memory_space<hbm>>
      %dma_wait3A_648 = tpu.memref_squeeze %dma_wait3A_647 : memref<1x512xf32, #tpu.memory_space<hbm>> -> memref<512xf32, #tpu.memory_space<hbm>>
      tpu.wait_dma2 semaphore(%run_scoped3A : memref<!tpu.dma_semaphore, #tpu.memory_space<semaphore_mem>>) src(%arg9 : memref<512xf32, #tpu.memory_space<vmem>>) dst(%dma_wait3A_648 : memref<512xf32, #tpu.memory_space<hbm>>)
      tpu.yield
    }) : () -> ()
    return
  }
}

</mosaic_0001>

<sc_bundles>
// kernel: _sc_combine.3.cloned.1.call-start
scs
__scs_entry_jumppad:
0x0: {  	(pc) =	sbr.rel $0x88, $3  }
0x1: {  	(tag) =	ssettag $0x0;
	lr =	simm.s32 $0x1  }
0x2: {  	[smem:$0x3F9F] =	sst lr;
	_ =	strace $0xD0000000  }
0x3: {  	_ = 	snop  }
0x4: {  	_ = 	snop  }
0x5: {  	_ = 	snop  }
0x6: {  	_ = 	snop  }
0x7: {  	_ = 	snop  }
__scs_overlays_trampoline_lowered:
0x8: {  	[smem:$0x3FAE] =	sst s0  }
0x9: {  	[smem:$0x3FAF] =	sst s1  }
0xa: {  	[smem:$0x3FB0] =	sst s2  }
0xb: {  	[smem:$0x3FB1] =	sst s3  }
0xc: {  	[smem:$0x3FB2] =	sst s4  }
0xd: {  	[smem:$0x3FB3] =	sst s5  }
0xe: {  	[smem:$0x3FB4] =	sst s6  }
0xf: {  	[smem:$0x3FB5] =	sst s7  }
0x10: {  	[smem:$0x3FB6] =	sst s8  }
0x11: {  	[smem:$0x3FB7] =	sst s9;
	s0 =	simm.s32 @!p0 $0x0  }
0x12: {  	s1 =	sld [smem:$0x3F9D];
	s0 =	simm.s32 @p0 $0x1  }
0x13: {  	[smem:$0x3FB8] =	sst s0;
	s0 =	simm.s32 @!p1 $0x0  }
0x14: {  	s2 =	sld [smem:$0x3F9C];
	s0 =	simm.s32 @p1 $0x1  }
0x15: {  	[smem:$0x3FB9] =	sst s0;
	s0 =	simm.s32 @!p2 $0x0  }
0x16: {  	s3 =	sld [smem:$0x3FDB];
	s0 =	simm.s32 @p2 $0x1  }
0x17: {  	s4 =	simm.s32 $0x1BF5;
	[smem:$0x3FBB] =	sst s0  }
0x18: {  	s0 =	sld [smem:$0x3F9E];
	_ =	swait.ge [sflag:s4], $0x0  }
0x19: {  	s7 =	sld [smem:$0x3F9F]  }
0x1a: {  	s8 =	sadd.s32 $0xFFFFE003, lr  }
0x1b: {  	s9 =	sadd.s32 $0xFFFFFEF7, lr;
	s5 =	simm.s32 $0xFFFFFFFF;
	p2 =	slt.u32 s8, $0xFFFFF086  }
0x1c: {  	p1 =	slt.u32 s9, $0xF7A;
	s5 =	simm.s32 @!p2 $0x0  }
0x1d: {  	s5 =	simm.s32 @p1 $0x1;
	p0 =	seq.s32 s7, s2  }
0x1e: {  	s7 =	smul.u32 @!p0 $0xF7A, s2;
	p2 =	seq.s32 @!p0 s5, $0x0  }
0x1f: {  	s9 =	smul.u32 $0xF7A, s1;
	s8 =	simm.s32 @!p0 $0x1BF5;
	p2 =	por !p2, p0  }
0x20: {  	[sflag:s8] =	ssyncset.s32 @!p0 $0xFFFFF086;
	s6 =	sadd.s32 @!p0 s3, s7;
	s7 =	simm.s32 @!p0 $0x108  }
0x21: {  	s3 =	sadd.s32 s3, s9;
	s6 =	sadd.s32 @!p0 $0x88, s6;
	s7 =	simm.s32 @p2 $0x1082  }
0x22: {  	[simem:s7], [sflag:s8] =	dma.local @!p0 [hbm:s6], $0xF7A  }
0x23: {  	s9 =	sor.u32 $0xD0000000, s2;
	s6 =	simm.s32 $0x108;
	_ =	swait.ge @!p0 [sflag:s8], $0x0  }
0x24: {  	s3 =	sadd.s32 $0x88, s3;
	s6 =	simm.s32 @!p1 $0x1082;
	[sflag:s4] =	ssyncset.s32 $0xFFFFF086  }
0x25: {  	[simem:s6], [sflag:s4] =	dma.local [hbm:s3], $0xF7A  }
0x26: {  	[smem:$0x3F9F] =	sst s1;
	(tag) =	ssettag s2;
	_ =	strace s9  }
0x27: {  	s1 =	sld [smem:$0x3FAF]  }
0x28: {  	s2 =	sld [smem:$0x3FB0]  }
0x29: {  	s4 =	sld [smem:$0x3FB2]  }
0x2a: {  	p0 =	seq.s32 s5, $0x0;
	s5 =	sld [smem:$0x3FB3]  }
0x2b: {  	s6 =	sld [smem:$0x3FB4]  }
0x2c: {  	s7 =	sld [smem:$0x3FB5]  }
0x2d: {  	s3 =	simm.s32 $0x108;
	s8 =	sld [smem:$0x3FB6]  }
0x2e: {  	s3 =	simm.s32 @!p0 $0x1082;
	s9 =	sld [smem:$0x3FB7]  }
0x2f: {  	lr =	sadd.s32 s0, s3;
	s0 =	sld [smem:$0x3FAE]  }
0x30: {  	s3 =	sld [smem:$0x3FB1]  }
0x31: {  	[smem:$0x3FBA] =	sst s10  }
0x32: {  	s10 =	sld [smem:$0x3FB8];
	_ =	sdelay $0x3  }
0x33: {  	p0 =	seq.s32 s10, $0x1;
	s10 =	sld [smem:$0x3FBA];
	_ =	sdelay $0x3  }
0x34: {  	[smem:$0x3FBA] =	sst s10  }
0x35: {  	s10 =	sld [smem:$0x3FB9];
	_ =	sdelay $0x3  }
0x36: {  	p1 =	seq.s32 s10, $0x1;
	s10 =	sld [smem:$0x3FBA];
	_ =	sdelay $0x3  }
0x37: {  	[smem:$0x3FBA] =	sst s10  }
0x38: {  	s10 =	sld [smem:$0x3FBB]  }
0x39: {  	_ = 	snop;
	(pc) =	sbr.ind lr, $3  }
0x3a: {  	_ = 	snop  }
0x3b: {  	_ = 	snop  }
0x3c: {  	p2 =	seq.s32 s10, $0x1;
	s10 =	sld [smem:$0x3FBA]  }
0x3d: {  	_ =	shalt  }
0x3e: {  	_ =	shalt  }
0x3f: {  	_ =	shalt  }
0x40: {  	_ =	shalt  }
0x41: {  	_ =	shalt  }
0x42: {  	_ =	shalt  }
0x43: {  	_ =	shalt  }
0x44: {  	_ =	shalt  }
0x45: {  	_ =	shalt  }
0x46: {  	_ =	shalt  }
0x47: {  	_ =	shalt  }
0x48: {  	_ =	shalt  }
0x49: {  	_ =	shalt  }
0x4a: {  	_ =	shalt  }
0x4b: {  	_ =	shalt  }
0x4c: {  	_ =	shalt  }
0x4d: {  	_ =	shalt  }
0x4e: {  	_ =	shalt  }
0x4f: {  	_ =	shalt  }
0x50: {  	_ =	shalt  }
0x51: {  	_ =	shalt  }
0x52: {  	_ =	shalt  }
0x53: {  	_ =	shalt  }
0x54: {  	_ =	shalt  }
0x55: {  	_ =	shalt  }
0x56: {  	_ =	shalt  }
0x57: {  	_ =	shalt  }
0x58: {  	_ =	shalt  }
0x59: {  	_ =	shalt  }
0x5a: {  	_ =	shalt  }
0x5b: {  	_ =	shalt  }
0x5c: {  	_ =	shalt  }
0x5d: {  	_ =	shalt  }
0x5e: {  	_ =	shalt  }
0x5f: {  	_ =	shalt  }
0x60: {  	_ =	shalt  }
0x61: {  	_ =	shalt  }
0x62: {  	_ =	shalt  }
0x63: {  	_ =	shalt  }
0x64: {  	_ =	shalt  }
0x65: {  	_ =	shalt  }
0x66: {  	_ =	shalt  }
0x67: {  	_ =	shalt  }
0x68: {  	_ =	shalt  }
0x69: {  	_ =	shalt  }
0x6a: {  	_ =	shalt  }
0x6b: {  	_ =	shalt  }
0x6c: {  	_ =	shalt  }
0x6d: {  	_ =	shalt  }
0x6e: {  	_ =	shalt  }
0x6f: {  	_ =	shalt  }
0x70: {  	_ =	shalt  }
0x71: {  	_ =	shalt  }
0x72: {  	_ =	shalt  }
0x73: {  	_ =	shalt  }
0x74: {  	_ =	shalt  }
0x75: {  	_ =	shalt  }
0x76: {  	_ =	shalt  }
0x77: {  	_ =	shalt  }
0x78: {  	_ =	shalt  }
0x79: {  	_ =	shalt  }
0x7a: {  	_ =	shalt  }
0x7b: {  	_ =	shalt  }
0x7c: {  	_ =	shalt  }
0x7d: {  	_ =	shalt  }
0x7e: {  	_ =	shalt  }
0x7f: {  	_ =	shalt  }
0x80: {  	_ =	shalt  }
0x81: {  	_ =	shalt  }
0x82: {  	_ =	shalt  }
0x83: {  	_ =	shalt  }
0x84: {  	_ =	shalt  }
0x85: {  	_ =	shalt  }
0x86: {  	_ =	shalt  }
0x87: {  	_ =	shalt  }
.Lfunc_end0:
.L_simem_size_0:
called_computation_lowered:
.L_overlay_start_0:
0x88: {  	s2 =	sld [smem:$0x3FD9]  }
0x89: {  	s3 =	sld [smem:$0x3FFE];
	_ =	sdelay $0x1  }
0x8a: {  	s1 =	srdreg.scid  }
0x8b: {  	s0 =	sand.u32 $0x1, s1  }
0x8c: {  	s14 =	sshll.u32 s0, $0xA;
	s2 =	sadd.s32 s3, s2  }
0x8d: {  	s2 =	sadd.s32 s2, s14  }
0x8e: {  	[smem:$0x3FC6] =	sst s2  }
0x8f: {  	_ = 	snop  }
0x90: {  	s2 =	sld [smem:$0x3FD0];
	_ =	sdelay $0x1  }
0x91: {  	s15 =	sld [smem:$0x3FC9]  }
0x92: {  	s5 =	simm.s32 $0xA;
	s6 =	simm.s32 $0x10;
	s4 =	sld [smem:$0x3FC8]  }
0x93: {  	[smem:s6], [sflag:s5] =	dma.local [hbm:s2], $0x1  }
0x94: {  	_ =	swait.eq [sflag:s5], $0x1  }
0x95: {  	[sflag:s5] =	ssyncset.done $0x0  }
0x96: {  	[sflag:s5] =	ssyncadd.s32 $0xFFFFFFFF  }
0x97: {  	s16 =	sld [smem:$0x10];
	(tm) =	ssettm $0x1  }
0x98: {  	s17 =	sld [smem:$0x3FFB];
	_ =	sdelay $0x3  }
0x99: {  	_ =	strace s17  }
0x9a: {  	s5 =	sld [smem:$0x3FFC];
	_ =	sdelay $0x3  }
0x9b: {  	_ =	strace s5  }
0x9c: {  	s5 =	sld [smem:$0x3FFD];
	_ =	sdelay $0x3  }
0x9d: {  	_ =	strace s5  }
0x9e: {  	_ =	strace $0x8FFFFFFF  }
0x9f: {  	s18 =	sld [smem:$0x3FDB];
	_ =	sdelay $0x1  }
0xa0: {  	s19 =	simm.s32 $_scs_section_size  }
0xa1: {  	s7 =	simm.s32 $_size__tile_overlayer_lowered;
	s8 =	simm.s32 $_tile_overlayer_lowered  }
0xa2: {  	s22 =	simm.s32 $0x1BFF;
	s21 =	sshll.u32 s8, $0x1;
	s5 =	sadd.s32 s19, s18  }
0xa3: {  	s9 =	simm.s32 $0x0;
	s20 =	sshll.u32 s7, $0x1;
	s7 =	sadd.s32 s21, s5  }
0xa4: {  	[timem:s9], [sflag:s22] =	dma.local [hbm:s7], s20  }
0xa5: {  	_ =	swait.ge [sflag:s22], s20  }
0xa6: {  	s6 =	ssub.s32 $0x0, s20;
	[sflag:s22] =	ssyncset.done $0x0  }
0xa7: {  	[sflag:s22] =	ssyncadd.s32 s6;
	_ =	sdelay $0x1  }
0xa8: {  	s23 =	simm.s32 $0x1B8B  }
0xa9: {  	_ =	swait.ge [sflag:s23], $0x1  }
0xaa: {  	[sflag:s23] =	ssyncset.done $0x0  }
0xab: {  	s25 =	simm.s32 $0x1B8E;
	s24 =	sld [smem:$0x3FFE];
	[sflag:s23] =	ssyncadd.s32 $0xFFFFFFFF  }
0xac: {  	s26 =	simm.s32 $execute0_lowered;
	[smem:$0x3FD2] =	sst s25  }
0xad: {  	s7 =	sshll.u32 s26, $0x1;
	_ =	strace $0x80000046;
	[dreg:$0x1] =	wrdreg $0xFFFFFFFF  }
0xae: {  	s28 =	simm.s32 $_size_execute0_lowered;
	s5 =	sadd.s32 s5, s7;
	[dreg:$0x0] =	wrdreg $0x0  }
0xaf: {  	s7 =	sshll.u32 s28, $0x1;
	[dreg:$0x2] =	wrdreg s5  }
0xb0: {  	[dreg:$0x3] =	wrdreg s7  }
0xb1: {  	[dreg:$0x4] =	wrdreg $0xC0  }
0xb2: {  	_ =	task [dreg:s9], $0x5FFFF  }
0xb3: {  	[dreg:$0x1] =	wrdreg $0xFFFFFFFF  }
0xb4: {  	[dreg:$0x0] =	wrdreg $0x60  }
0xb5: {  	[dreg:$0x2] =	wrdreg s15  }
0xb6: {  	[dreg:$0x3] =	wrdreg s4  }
0xb7: {  	[dreg:$0x4] =	wrdreg s16  }
0xb8: {  	[dreg:$0x5] =	wrdreg s24  }
0xb9: {  	[dreg:$0x6] =	wrdreg $0x9  }
0xba: {  	_ =	task.clear_ibuf [dreg:s9], $0x7FFFF;
	_ =	strace $0x90000046  }
0xbb: {  	s29 =	simm.s32 $0x9;
	_ =	strace $0x80000048  }
0xbc: {  	_ =	swait.ge [sflag:s29], $0x1  }
0xbd: {  	[sflag:s29] =	ssyncadd.s32 $0xFFFFFFFF  }
0xbe: {  	_ =	strace $0x90000048  }
0xbf: {  	_ =	sfence  }
0xc0: {  	s30 =	sld [smem:$0x0];
	_ =	sdelay $0x2  }
0xc1: {  	s31 =	sshll.u32 s1, $0xD;
	s1 =	sshrl.u32 s1, $0x2  }
0xc2: {  	s3 =	sand.u32 $0x4000, s31;
	s1 =	sadd.s32 s1, s30  }
0xc3: {  	s0 =	sor.u32 s3, s0;
	s1 =	sshll.u32 s1, $0x11  }
0xc4: {  	s0 =	sor.u32 s1, s0  }
0xc5: {  	s0 =	sadd.s32 $0x8F2B, s0  }
0xc6: {  	[sflag:s0] =	ssyncadd.remote.s32 $0x1  }
0xc7: {  	_ =	sfence.sel $0xFFFF  }
0xc8: {  	[dreg:$0x0] =	wrdreg $0xFFFFFFFF;
	(pc) =	sbr.abs _section_cstart, $3  }
0xc9: {  	[dreg:$0x1] =	wrdreg $0xFFFFFFFF  }
0xca: {  	_ =	task.clear_ibuf [dreg:s9], $0x2FFFF;
	_ =	strace $0x9FFFFFFF  }
0xcb: {  	(tm) =	ssettm $0x7FFFFFFF  }
tec
execute0_lowered:
.L_overlay_start_1:
0x0: {  	(tag) =	ssettag $0x1  }
0x1: {  	s5 =	rddreg [dreg:$0x0]  }
0x2: {  	s3 =	rddreg [dreg:$0x1]  }
0x3: {  	s9 =	rddreg [dreg:$0x2]  }
0x4: {  	s4 =	rddreg [dreg:$0x3]  }
0x5: {  	s0 =	rddreg [dreg:$0x4];
	s6 =	srdreg.scid  }
0x6: {  	s2 =	simm.s32 $0x0;
	s1 =	stileid.u32;
	s14 =	simm.s32 $0x1  }
0x7: {  	s15 =	simm.s32 $0x5300;
	s16 =	simm.s32 $0x2;
	s17 =	simm.s32 $0x5100  }
0x8: {  	s18 =	simm.s32 $0x0;
	s6 =	sand.u32 $0x1, s6;
	[smem:$0x7FF] =	sst s2  }
0x9: {  	s8 =	sshll.u32 s1, $0x1;
	s10 =	sadd.s32 $0x800, s4;
	s7 =	sshll.u32 s6, $0x5  }
0xa: {  	s28 =	sshll.u32 s1, $0x8;
	s6 =	ssub.s32 $0x2, s6;
	s26 =	sor.u32 s8, s7  }
0xb: {  	_ =	strace $0x80000047;
	s29 =	sshrl.u32 s6, $0x1;
	s4 =	sshrl.u32 s26, $0x3  }
0xc: {  	s7 =	sand.u32 $0x300, s28;
	s11 =	sshll.u32 s4, $0xA;
	s4 =	sshll.u32 s4, $0xC  }
0xd: {  	s12 =	ssub.s32 s6, s29;
	s30 =	sor.u32 s7, s11;
	s31 =	sor.u32 s7, s4  }
0xe: {  	s7 =	sor.u32 $0x80, s7;
	s6 =	sshrl.u32 s30, $0x3;
	s8 =	sshrl.u32 s31, $0x3  }
0xf: {  	s13 =	sor.u32 s7, s4;
	s7 =	sor.u32 s7, s11;
	s3 =	sadd.s32 s3, s6  }
0x10: {  	s4 =	sadd.s32 s5, s8;
	s13 =	sshrl.u32 s13, $0x3;
	s6 =	sadd.s32 s10, s6  }
0x11: {  	s11 =	sshrl.u32 s7, $0x3;
	s7 =	sadd.s32 s9, s8;
	s5 =	sadd.s32 s5, s13  }
0x12: {  	s8 =	sadd.s32 s10, s11;
	s9 =	sadd.s32 s9, s13;
	s10 =	smax.u32 s12, $0x1  }
0x13: {  	s11 =	simm.s32 $0x5000;
	s12 =	simm.s32 $0x80;
	s13 =	simm.s32 $0x400  }
.LBB2_1:
0x14: {  	[tilespmem:s11], [sflag:$0x1] =	stream.linear.gather [hbm4b:s3+s2], $0x100, $0x38;
	[tilespmem:$0x5380] =	vst v63  }
0x15: {  	s19 =	simm.s32 $0x800  }
0x16: {  	s22 =	simm.s32 $0x0;
	s20 =	sadd.s32 $0x1000, s4;
	s21 =	smov.u32 s4  }
.LBB2_2:
0x17: {  	[tilespmem:s22], [sflag:$0x1] =	stream.strided.gather [hbm4b:s21+s12], $0x200, s13, s12, $0x38;
	[tilespmem:$0x5380] =	vst v63  }
0x18: {  	s22 =	smov.u32 s19;
	s21 =	smov.u32 s20;
	p0 =	sne.s32 s19, $0x9800  }
.Ltmp0:
0x19: {  	s19 =	sadd.s32 $0x800, s19;
	(pc) =	sbr.rel @p0 .LBB2_2-.Ltmp0, $2  }
0x1a: {  	_ =	sdelay $0x2  }
0x1b: {  	s20 =	sadd.s32 $0x1000, s20;
	s22 =	sshra.s32 s22, $0x2  }
0x1c: {  	[tilespmem:s22], [sflag:$0x1] =	stream.strided.gather [hbm4b:s21+s12], $0x200, s13, s12, $0x38;
	[tilespmem:$0x5380] =	vst v63  }
0x1d: {  	s19 =	simm.s32 $0x2800  }
0x1e: {  	[tilespmem:s19], [sflag:$0x1] =	stream.strided.gather [hbm4b:s5+s12], $0x200, s13, s12, $0x38;
	[tilespmem:$0x5380] =	vst v63  }
0x1f: {  	s20 =	smov.u32 s5;
	s19 =	simm.s32 $0x800  }
.LBB2_4:
0x20: {  	p0 =	sne.s32 s19, $0x9800  }
.Ltmp1:
0x21: {  	_ = 	snop;
	(pc) =	sbr.rel @p0 .LBB2_4-.Ltmp1, $4  }
0x22: {  	_ = 	snop  }
0x23: {  	s21 =	sshra.s32 s19, $0x2;
	s19 =	sadd.s32 $0x800, s19  }
0x24: {  	s20 =	sadd.s32 $0x1000, s20;
	s21 =	sadd.s32 $0x2800, s21  }
0x25: {  	[tilespmem:s21], [sflag:$0x1] =	stream.strided.gather [hbm4b:s20+s12], $0x200, s13, s12, $0x38;
	[tilespmem:$0x5380] =	vst v63  }
0x26: {  	_ =	swait.ge [sflag:s14], $0x100  }
0x27: {  	[sflag:s14] =	ssyncset.done $0x0  }
0x28: {  	[sflag:s14] =	ssyncadd.s32 $0xFFFFFF00  }
0x29: {  	_ =	swait.ge [sflag:s14], $0x2800  }
0x2a: {  	[sflag:s14] =	ssyncset.done $0x0  }
0x2b: {  	[sflag:s14] =	ssyncadd.s32 $0xFFFFD800  }
0x2c: {  	_ =	swait.ge [sflag:s14], $0x2800  }
0x2d: {  	[sflag:s14] =	ssyncset.done $0x0  }
0x2e: {  	[sflag:s14] =	ssyncadd.s32 $0xFFFFD800  }
0x2f: {  	v0 =	vld [tilespmem:$0x5000];
	_ =	sdelay $0x1  }
0x30: {  	v1 =	vld [tilespmem:$0x5010];
	_ =	sdelay $0x1  }
0x31: {  	v2 =	vld [tilespmem:$0x5020]  }
0x32: {  	v0 =	vadd.f32 $0.0e+00, v0  }
0x33: {  	v3 =	vld [tilespmem:$0x5030]  }
0x34: {  	v0 =	vadd.f32 v1, v0  }
0x35: {  	v1 =	vld [tilespmem:$0x5040]  }
0x36: {  	v0 =	vadd.f32 v2, v0  }
0x37: {  	v2 =	vld [tilespmem:$0x5050]  }
0x38: {  	v0 =	vadd.f32 v3, v0  }
0x39: {  	v3 =	vld [tilespmem:$0x5060]  }
0x3a: {  	v0 =	vadd.f32 v1, v0  }
0x3b: {  	v1 =	vld [tilespmem:$0x5070]  }
0x3c: {  	v0 =	vadd.f32 v2, v0;
	_ =	sdelay $0x1  }
0x3d: {  	v0 =	vadd.f32 v3, v0;
	_ =	sdelay $0x1  }
0x3e: {  	v0 =	vadd.f32 v1, v0;
	_ =	sdelay $0x1  }
0x3f: {  	(v2sf) =	vpush v0, $0x0  }
0x40: {  	(v2sf) =	vpush v0, $0x1;
	_ =	sdelay $0x1  }
0x41: {  	(v2sf) =	vpush v0, $0x2;
	_ =	sdelay $0x1  }
0x42: {  	(v2sf) =	vpush v0, $0x3;
	_ =	sdelay $0x1  }
0x43: {  	(v2sf) =	vpush v0, $0x4;
	_ =	sdelay $0x1  }
0x44: {  	(v2sf) =	vpush v0, $0x5;
	_ =	sdelay $0x1  }
0x45: {  	(v2sf) =	vpush v0, $0x6;
	_ =	sdelay $0x1  }
0x46: {  	(v2sf) =	vpush v0, $0x7;
	_ =	sdelay $0x1  }
0x47: {  	s19 =	spop (v2sf);
	(v2sf) =	vpush v0, $0x8  }
0x48: {  	s20 =	spop (v2sf)  }
0x49: {  	(v2sf) =	vpush v0, $0x9;
	s19 =	sadd.f32 s20, s19  }
0x4a: {  	s26 =	spop (v2sf)  }
0x4b: {  	(v2sf) =	vpush v0, $0xA;
	s19 =	sadd.f32 s19, s26  }
0x4c: {  	s28 =	spop (v2sf)  }
0x4d: {  	(v2sf) =	vpush v0, $0xB;
	s19 =	sadd.f32 s19, s28  }
0x4e: {  	s29 =	spop (v2sf)  }
0x4f: {  	(v2sf) =	vpush v0, $0xC;
	s19 =	sadd.f32 s19, s29  }
0x50: {  	s30 =	spop (v2sf)  }
0x51: {  	(v2sf) =	vpush v0, $0xD;
	s19 =	sadd.f32 s19, s30  }
0x52: {  	s31 =	spop (v2sf)  }
0x53: {  	(v2sf) =	vpush v0, $0xE;
	s19 =	sadd.f32 s19, s31  }
0x54: {  	s21 =	spop (v2sf)  }
0x55: {  	(v2sf) =	vpush v0, $0xF;
	s19 =	sadd.f32 s19, s21  }
0x56: {  	s22 =	spop (v2sf)  }
0x57: {  	s19 =	sadd.f32 s19, s22  }
0x58: {  	s23 =	spop (v2sf)  }
0x59: {  	s19 =	sadd.f32 s19, s23  }
0x5a: {  	s24 =	spop (v2sf)  }
0x5b: {  	s19 =	sadd.f32 s19, s24  }
0x5c: {  	s25 =	spop (v2sf)  }
0x5d: {  	s19 =	sadd.f32 s19, s25  }
0x5e: {  	s26 =	spop (v2sf)  }
0x5f: {  	s19 =	sadd.f32 s19, s26  }
0x60: {  	s28 =	spop (v2sf)  }
0x61: {  	s19 =	sadd.f32 s19, s28  }
0x62: {  	s29 =	spop (v2sf)  }
0x63: {  	s19 =	sadd.f32 s19, s29  }
0x64: {  	s30 =	spop (v2sf)  }
0x65: {  	s19 =	sadd.f32 s19, s30;
	_ =	sdelay $0x1  }
0x66: {  	v0 =	vmov s19  }
0x67: {  	s31 =	simm.s32 $0x0;
	[tilespmem:$0x5300] =	vst v0  }
0x68: {  	[hbm4b:s6+s31] =	stream.linear.scatter [tilespmem:s15], [sflag:$0x2], $0x80, $0x38;
	[tilespmem:$0x5380] =	vst v63  }
0x69: {  	_ =	swait.ge [sflag:s16], $0x80  }
0x6a: {  	[sflag:s16] =	ssyncset.done $0x0  }
0x6b: {  	s21 =	simm.s32 $0x0;
	[sflag:s16] =	ssyncadd.s32 $0xFFFFFF80  }
0x6c: {  	v0 =	vld [tilespmem:s21+$0x1F0]  }
0x6d: {  	v2 =	vld [tilespmem:s21+$0x0]  }
0x6e: {  	v3 =	vld [tilespmem:s21+$0x10]  }
0x6f: {  	v4 =	vld [tilespmem:s21+$0x20]  }
0x70: {  	v5 =	vld [tilespmem:s21+$0x30]  }
0x71: {  	v6 =	vld [tilespmem:s21+$0x40]  }
0x72: {  	v7 =	vld [tilespmem:s21+$0x50]  }
0x73: {  	v8 =	vld [tilespmem:s21+$0x60]  }
0x74: {  	v9 =	vld [tilespmem:s21+$0x70]  }
0x75: {  	v10 =	vld [tilespmem:s21+$0x80]  }
0x76: {  	v11 =	vld [tilespmem:s21+$0x90]  }
0x77: {  	v12 =	vld [tilespmem:s21+$0xA0]  }
0x78: {  	v13 =	vld [tilespmem:s21+$0xB0]  }
0x79: {  	v14 =	vld [tilespmem:s21+$0xC0]  }
0x7a: {  	v15 =	vld [tilespmem:s21+$0xD0]  }
0x7b: {  	v16 =	vld [tilespmem:s21+$0xE0]  }
0x7c: {  	v32 =	vld [tilespmem:s21+$0xF0]  }
0x7d: {  	v1 =	vimm.f32 $0.0e+00;
	v33 =	vld [tilespmem:s21+$0x100]  }
0x7e: {  	v34 =	vld [tilespmem:s21+$0x110];
	v0 =	vadd.f32 v0, v1  }
0x7f: {  	v36 =	vld [tilespmem:s21+$0x190];
	v31 =	vadd.f32 v2, v1;
	v29 =	vadd.f32 v3, v1  }
0x80: {  	v2 =	vld [tilespmem:s21+$0x120];
	v30 =	vadd.f32 v4, v1;
	v27 =	vadd.f32 v5, v1  }
0x81: {  	v3 =	vld [tilespmem:s21+$0x130];
	v28 =	vadd.f32 v6, v1;
	v25 =	vadd.f32 v7, v1  }
0x82: {  	v4 =	vld [tilespmem:s21+$0x140];
	v26 =	vadd.f32 v8, v1;
	v23 =	vadd.f32 v9, v1  }
0x83: {  	v5 =	vld [tilespmem:s21+$0x150];
	v24 =	vadd.f32 v10, v1;
	v21 =	vadd.f32 v11, v1  }
0x84: {  	v6 =	vld [tilespmem:s21+$0x160];
	v22 =	vadd.f32 v12, v1;
	v19 =	vadd.f32 v13, v1  }
0x85: {  	v7 =	vld [tilespmem:s21+$0x170];
	v20 =	vadd.f32 v14, v1;
	v17 =	vadd.f32 v15, v1  }
0x86: {  	v8 =	vld [tilespmem:s21+$0x180];
	v18 =	vadd.f32 v16, v1;
	v15 =	vadd.f32 v32, v1  }
0x87: {  	v16 =	vadd.f32 v33, v1;
	v14 =	vadd.f32 v34, v1  }
0x88: {  	v33 =	vld [tilespmem:s21+$0x1A0];
	v13 =	vadd.f32 v2, v1;
	v11 =	vadd.f32 v3, v1  }
0x89: {  	v34 =	vld [tilespmem:s21+$0x1B0];
	v12 =	vadd.f32 v4, v1;
	v9 =	vadd.f32 v5, v1  }
0x8a: {  	v35 =	vld [tilespmem:s21+$0x1C0];
	v10 =	vadd.f32 v6, v1;
	v7 =	vadd.f32 v7, v1  }
0x8b: {  	v32 =	vld [tilespmem:s21+$0x1D0];
	v5 =	vadd.f32 v8, v1;
	v3 =	vadd.f32 v36, v1;
	v6 =	vimm.f32 $0.0e+00  }
0x8c: {  	s20 =	simm.s32 $0x1000;
	s19 =	simm.s32 $0x200;
	v36 =	vld [tilespmem:s21+$0x1E0];
	v8 =	vimm.f32 $0.0e+00;
	v4 =	vimm.f32 $0.0e+00;
	v2 =	vimm.f32 $0.0e+00  }
.LBB2_6:
0x8d: {  	p0 =	sne.s32 s20, $0x9800;
	v37 =	vld [tilespmem:s19+$0x1F0];
	v1 =	vadd.f32 v33, v1  }
0x8e: {  	v33 =	vld [tilespmem:s19+$0x0];
	v6 =	vadd.f32 v34, v6  }
0x8f: {  	v34 =	vld [tilespmem:s19+$0x10];
	v8 =	vadd.f32 v35, v8  }
0x90: {  	v35 =	vld [tilespmem:s19+$0x20];
	v4 =	vadd.f32 v32, v4  }
0x91: {  	v32 =	vld [tilespmem:s19+$0x30];
	v2 =	vadd.f32 v36, v2  }
0x92: {  	v36 =	vld [tilespmem:s19+$0x40];
	v0 =	vadd.f32 v37, v0  }
0x93: {  	v31 =	vadd.f32 v33, v31;
	v33 =	vld [tilespmem:s19+$0x50]  }
0x94: {  	v29 =	vadd.f32 v34, v29;
	v34 =	vld [tilespmem:s19+$0x60]  }
0x95: {  	v30 =	vadd.f32 v35, v30;
	v35 =	vld [tilespmem:s19+$0x70]  }
0x96: {  	v27 =	vadd.f32 v32, v27;
	v32 =	vld [tilespmem:s19+$0x80]  }
0x97: {  	v28 =	vadd.f32 v36, v28;
	v36 =	vld [tilespmem:s19+$0x90]  }
0x98: {  	v25 =	vadd.f32 v33, v25;
	v33 =	vld [tilespmem:s19+$0xA0]  }
0x99: {  	v26 =	vadd.f32 v34, v26;
	v34 =	vld [tilespmem:s19+$0xB0]  }
0x9a: {  	v23 =	vadd.f32 v35, v23;
	v35 =	vld [tilespmem:s19+$0xC0]  }
0x9b: {  	v24 =	vadd.f32 v32, v24;
	v32 =	vld [tilespmem:s19+$0xD0]  }
0x9c: {  	v21 =	vadd.f32 v36, v21;
	v36 =	vld [tilespmem:s19+$0xE0]  }
0x9d: {  	v22 =	vadd.f32 v33, v22;
	v33 =	vld [tilespmem:s19+$0xF0]  }
0x9e: {  	v19 =	vadd.f32 v34, v19;
	v34 =	vld [tilespmem:s19+$0x100]  }
0x9f: {  	v20 =	vadd.f32 v35, v20;
	v35 =	vld [tilespmem:s19+$0x110]  }
0xa0: {  	v17 =	vadd.f32 v32, v17;
	v32 =	vld [tilespmem:s19+$0x120]  }
0xa1: {  	v18 =	vadd.f32 v36, v18;
	v36 =	vld [tilespmem:s19+$0x130]  }
0xa2: {  	v15 =	vadd.f32 v33, v15;
	v33 =	vld [tilespmem:s19+$0x140]  }
0xa3: {  	v16 =	vadd.f32 v34, v16;
	v34 =	vld [tilespmem:s19+$0x150]  }
0xa4: {  	v14 =	vadd.f32 v35, v14;
	v35 =	vld [tilespmem:s19+$0x160]  }
0xa5: {  	v13 =	vadd.f32 v32, v13;
	v32 =	vld [tilespmem:s19+$0x170]  }
0xa6: {  	v11 =	vadd.f32 v36, v11;
	v36 =	vld [tilespmem:s19+$0x180]  }
0xa7: {  	v12 =	vadd.f32 v33, v12;
	v37 =	vld [tilespmem:s19+$0x190]  }
.Ltmp2:
0xa8: {  	v9 =	vadd.f32 v34, v9;
	v33 =	vld [tilespmem:s19+$0x1A0];
	(pc) =	sbr.rel @p0 .LBB2_6-.Ltmp2, $4  }
0xa9: {  	v10 =	vadd.f32 v35, v10;
	v34 =	vld [tilespmem:s19+$0x1B0]  }
0xaa: {  	v7 =	vadd.f32 v32, v7;
	v35 =	vld [tilespmem:s19+$0x1C0]  }
0xab: {  	v5 =	vadd.f32 v36, v5;
	v32 =	vld [tilespmem:s19+$0x1D0]  }
0xac: {  	v3 =	vadd.f32 v37, v3;
	v36 =	vld [tilespmem:s19+$0x1E0];
	s19 =	sshra.s32 s20, $0x2;
	s20 =	sadd.s32 $0x800, s20  }
0xad: {  	v37 =	vld [tilespmem:s19+$0x1F0]  }
0xae: {  	v38 =	vld [tilespmem:s19+$0x0]  }
0xaf: {  	v39 =	vld [tilespmem:s19+$0x10]  }
0xb0: {  	v40 =	vld [tilespmem:s19+$0x20]  }
0xb1: {  	v41 =	vld [tilespmem:s19+$0x30]  }
0xb2: {  	v42 =	vld [tilespmem:s19+$0x40]  }
0xb3: {  	v43 =	vld [tilespmem:s19+$0x50]  }
0xb4: {  	v44 =	vld [tilespmem:s19+$0x60]  }
0xb5: {  	v45 =	vld [tilespmem:s19+$0x70]  }
0xb6: {  	v46 =	vld [tilespmem:s19+$0x80]  }
0xb7: {  	v47 =	vld [tilespmem:s19+$0x90]  }
0xb8: {  	v48 =	vld [tilespmem:s19+$0xA0]  }
0xb9: {  	v49 =	vld [tilespmem:s19+$0xB0]  }
0xba: {  	v50 =	vld [tilespmem:s19+$0xC0]  }
0xbb: {  	v51 =	vld [tilespmem:s19+$0xD0]  }
0xbc: {  	v52 =	vld [tilespmem:s19+$0xE0]  }
0xbd: {  	v53 =	vld [tilespmem:s19+$0xF0]  }
0xbe: {  	v54 =	vld [tilespmem:s19+$0x100]  }
0xbf: {  	v55 =	vld [tilespmem:s19+$0x110]  }
0xc0: {  	v56 =	vld [tilespmem:s19+$0x120]  }
0xc1: {  	[tilespmem:$0x1FFF0] =	vst v37;
	v37 =	vld [tilespmem:s19+$0x1A0]  }
0xc2: {  	v57 =	vld [tilespmem:s19+$0x130]  }
0xc3: {  	v58 =	vld [tilespmem:s19+$0x140]  }
0xc4: {  	v59 =	vld [tilespmem:s19+$0x150]  }
0xc5: {  	v60 =	vld [tilespmem:s19+$0x160]  }
0xc6: {  	[tilespmem:$0x1FFC0] =	vst v37;
	v37 =	vld [tilespmem:s19+$0x1B0]  }
0xc7: {  	v61 =	vld [tilespmem:s19+$0x170]  }
0xc8: {  	v62 =	vld [tilespmem:s19+$0x180]  }
0xc9: {  	v63 =	vld [tilespmem:s19+$0x190]  }
0xca: {  	v31 =	vadd.f32 v38, v31;
	v38 =	vld [tilespmem:s19+$0x1D0]  }
0xcb: {  	v29 =	vadd.f32 v39, v29;
	v39 =	vld [tilespmem:s19+$0x1E0];
	[tilespmem:$0x1FFD0] =	vst v37  }
0xcc: {  	v30 =	vadd.f32 v40, v30;
	v37 =	vld [tilespmem:s19+$0x1C0];
	[tilespmem:$0x5100] =	vst v31  }
0xcd: {  	v27 =	vadd.f32 v41, v27;
	[tilespmem:$0x5110] =	vst v29  }
0xce: {  	v28 =	vadd.f32 v42, v28;
	[tilespmem:$0x5120] =	vst v30  }
0xcf: {  	v25 =	vadd.f32 v43, v25;
	[tilespmem:$0x5130] =	vst v27  }
0xd0: {  	v26 =	vadd.f32 v44, v26;
	[tilespmem:$0x5140] =	vst v28  }
0xd1: {  	v23 =	vadd.f32 v45, v23;
	[tilespmem:$0x5150] =	vst v25  }
0xd2: {  	v24 =	vadd.f32 v46, v24;
	[tilespmem:$0x5160] =	vst v26  }
0xd3: {  	v21 =	vadd.f32 v47, v21;
	[tilespmem:$0x5170] =	vst v23  }
0xd4: {  	v22 =	vadd.f32 v48, v22;
	[tilespmem:$0x5180] =	vst v24  }
0xd5: {  	v19 =	vadd.f32 v49, v19;
	[tilespmem:$0x5190] =	vst v21  }
0xd6: {  	v20 =	vadd.f32 v50, v20;
	[tilespmem:$0x51A0] =	vst v22  }
0xd7: {  	v17 =	vadd.f32 v51, v17;
	[tilespmem:$0x51B0] =	vst v19  }
0xd8: {  	v18 =	vadd.f32 v52, v18;
	[tilespmem:$0x51C0] =	vst v20  }
0xd9: {  	v15 =	vadd.f32 v53, v15;
	[tilespmem:$0x51D0] =	vst v17  }
0xda: {  	v16 =	vadd.f32 v54, v16;
	[tilespmem:$0x51E0] =	vst v18  }
0xdb: {  	[tilespmem:$0x51F0] =	vst v15  }
0xdc: {  	v3 =	vadd.f32 v63, v3;
	[tilespmem:$0x5200] =	vst v16  }
0xdd: {  	v14 =	vadd.f32 v55, v14;
	[tilespmem:$0x1FFE0] =	vst v37  }
0xde: {  	v13 =	vadd.f32 v56, v13;
	[tilespmem:$0x5290] =	vst v3;
	v3 =	vld [tilespmem:$0x1FFE0]  }
0xdf: {  	v7 =	vadd.f32 v61, v7;
	[tilespmem:$0x5210] =	vst v14  }
0xe0: {  	v11 =	vadd.f32 v57, v11;
	[tilespmem:$0x5220] =	vst v13  }
0xe1: {  	v5 =	vadd.f32 v62, v5;
	[tilespmem:$0x5270] =	vst v7;
	v7 =	vadd.f32 v35, v8  }
0xe2: {  	v12 =	vadd.f32 v58, v12;
	[tilespmem:$0x5230] =	vst v11;
	v8 =	vld [tilespmem:$0x1FFC0]  }
0xe3: {  	[tilespmem:$0x5280] =	vst v5;
	v5 =	vld [tilespmem:$0x1FFD0];
	v3 =	vadd.f32 v3, v7  }
0xe4: {  	v2 =	vadd.f32 v36, v2;
	v9 =	vadd.f32 v59, v9;
	[tilespmem:$0x5240] =	vst v12  }
0xe5: {  	v1 =	vadd.f32 v33, v1;
	v10 =	vadd.f32 v60, v10;
	[tilespmem:$0x52C0] =	vst v3;
	v3 =	vld [tilespmem:$0x1FFF0]  }
0xe6: {  	v6 =	vadd.f32 v34, v6;
	v2 =	vadd.f32 v39, v2;
	[tilespmem:$0x5250] =	vst v9  }
0xe7: {  	v4 =	vadd.f32 v32, v4;
	[tilespmem:$0x5260] =	vst v10;
	v1 =	vadd.f32 v8, v1  }
0xe8: {  	[tilespmem:$0x52E0] =	vst v2;
	v5 =	vadd.f32 v5, v6  }
0xe9: {  	[tilespmem:$0x52A0] =	vst v1;
	v1 =	vadd.f32 v38, v4  }
0xea: {  	[tilespmem:$0x52B0] =	vst v5;
	v0 =	vadd.f32 v3, v0  }
0xeb: {  	[tilespmem:$0x52D0] =	vst v1  }
0xec: {  	[tilespmem:$0x52F0] =	vst v0  }
0xed: {  	[hbm4b:s7+s12] =	stream.strided.scatter [tilespmem:s17], [sflag:$0x2], $0x200, s13, s12, $0x38;
	[tilespmem:$0x5380] =	vst v63  }
0xee: {  	_ =	swait.ge [sflag:s16], $0x200  }
0xef: {  	[sflag:s16] =	ssyncset.done $0x0  }
0xf0: {  	[sflag:s16] =	ssyncadd.s32 $0xFFFFFE00  }
0xf1: {  	v0 =	vld [tilespmem:$0x5080];
	_ =	sdelay $0x1  }
0xf2: {  	v1 =	vld [tilespmem:$0x5090];
	_ =	sdelay $0x1  }
0xf3: {  	v2 =	vld [tilespmem:$0x50A0]  }
0xf4: {  	v0 =	vadd.f32 $0.0e+00, v0  }
0xf5: {  	v3 =	vld [tilespmem:$0x50B0]  }
0xf6: {  	v0 =	vadd.f32 v1, v0  }
0xf7: {  	v1 =	vld [tilespmem:$0x50C0]  }
0xf8: {  	v0 =	vadd.f32 v2, v0  }
0xf9: {  	v2 =	vld [tilespmem:$0x50D0]  }
0xfa: {  	v0 =	vadd.f32 v3, v0  }
0xfb: {  	v3 =	vld [tilespmem:$0x50E0]  }
0xfc: {  	v0 =	vadd.f32 v1, v0  }
0xfd: {  	v1 =	vld [tilespmem:$0x50F0]  }
0xfe: {  	v0 =	vadd.f32 v2, v0;
	_ =	sdelay $0x1  }
0xff: {  	v0 =	vadd.f32 v3, v0;
	_ =	sdelay $0x1  }
0x100: {  	v0 =	vadd.f32 v1, v0;
	_ =	sdelay $0x1  }
0x101: {  	(v2sf) =	vpush v0, $0x0  }
0x102: {  	(v2sf) =	vpush v0, $0x1;
	_ =	sdelay $0x1  }
0x103: {  	(v2sf) =	vpush v0, $0x2;
	_ =	sdelay $0x1  }
0x104: {  	(v2sf) =	vpush v0, $0x3;
	_ =	sdelay $0x1  }
0x105: {  	(v2sf) =	vpush v0, $0x4;
	_ =	sdelay $0x1  }
0x106: {  	(v2sf) =	vpush v0, $0x5;
	_ =	sdelay $0x1  }
0x107: {  	(v2sf) =	vpush v0, $0x6;
	_ =	sdelay $0x1  }
0x108: {  	(v2sf) =	vpush v0, $0x7;
	_ =	sdelay $0x1  }
0x109: {  	s25 =	spop (v2sf);
	(v2sf) =	vpush v0, $0x8  }
0x10a: {  	s20 =	spop (v2sf)  }
0x10b: {  	(v2sf) =	vpush v0, $0x9;
	s19 =	sadd.f32 s20, s25  }
0x10c: {  	s26 =	spop (v2sf)  }
0x10d: {  	(v2sf) =	vpush v0, $0xA;
	s19 =	sadd.f32 s19, s26  }
0x10e: {  	s28 =	spop (v2sf)  }
0x10f: {  	(v2sf) =	vpush v0, $0xB;
	s19 =	sadd.f32 s19, s28  }
0x110: {  	s29 =	spop (v2sf)  }
0x111: {  	(v2sf) =	vpush v0, $0xC;
	s19 =	sadd.f32 s19, s29  }
0x112: {  	s30 =	spop (v2sf)  }
0x113: {  	(v2sf) =	vpush v0, $0xD;
	s19 =	sadd.f32 s19, s30  }
0x114: {  	s31 =	spop (v2sf)  }
0x115: {  	(v2sf) =	vpush v0, $0xE;
	s19 =	sadd.f32 s19, s31  }
0x116: {  	s21 =	spop (v2sf)  }
0x117: {  	(v2sf) =	vpush v0, $0xF;
	s19 =	sadd.f32 s19, s21  }
0x118: {  	s22 =	spop (v2sf)  }
0x119: {  	s19 =	sadd.f32 s19, s22  }
0x11a: {  	s23 =	spop (v2sf)  }
0x11b: {  	s19 =	sadd.f32 s19, s23  }
0x11c: {  	s24 =	spop (v2sf)  }
0x11d: {  	s19 =	sadd.f32 s19, s24  }
0x11e: {  	s25 =	spop (v2sf)  }
0x11f: {  	s19 =	sadd.f32 s19, s25  }
0x120: {  	s26 =	spop (v2sf)  }
0x121: {  	s19 =	sadd.f32 s19, s26  }
0x122: {  	s28 =	spop (v2sf)  }
0x123: {  	s19 =	sadd.f32 s19, s28  }
0x124: {  	s29 =	spop (v2sf)  }
0x125: {  	s19 =	sadd.f32 s19, s29  }
0x126: {  	s30 =	spop (v2sf)  }
0x127: {  	s19 =	sadd.f32 s19, s30;
	_ =	sdelay $0x1  }
0x128: {  	v0 =	vmov s19  }
0x129: {  	s31 =	simm.s32 $0x0;
	[tilespmem:$0x5300] =	vst v0  }
0x12a: {  	[hbm4b:s8+s31] =	stream.linear.scatter [tilespmem:s15], [sflag:$0x2], $0x80, $0x38;
	[tilespmem:$0x5380] =	vst v63  }
0x12b: {  	_ =	swait.ge [sflag:s16], $0x80  }
0x12c: {  	[sflag:s16] =	ssyncset.done $0x0  }
0x12d: {  	s21 =	simm.s32 $0x0;
	[sflag:s16] =	ssyncadd.s32 $0xFFFFFF80  }
0x12e: {  	v0 =	vld [tilespmem:s21+$0x29F0]  }
0x12f: {  	v2 =	vld [tilespmem:s21+$0x2800]  }
0x130: {  	v3 =	vld [tilespmem:s21+$0x2810]  }
0x131: {  	v4 =	vld [tilespmem:s21+$0x2820]  }
0x132: {  	v5 =	vld [tilespmem:s21+$0x2830]  }
0x133: {  	v6 =	vld [tilespmem:s21+$0x2840]  }
0x134: {  	v7 =	vld [tilespmem:s21+$0x2850]  }
0x135: {  	v8 =	vld [tilespmem:s21+$0x2860]  }
0x136: {  	v9 =	vld [tilespmem:s21+$0x2870]  }
0x137: {  	v10 =	vld [tilespmem:s21+$0x2880]  }
0x138: {  	v11 =	vld [tilespmem:s21+$0x2890]  }
0x139: {  	v12 =	vld [tilespmem:s21+$0x28A0]  }
0x13a: {  	v13 =	vld [tilespmem:s21+$0x28B0]  }
0x13b: {  	v14 =	vld [tilespmem:s21+$0x28C0]  }
0x13c: {  	v15 =	vld [tilespmem:s21+$0x28D0]  }
0x13d: {  	v16 =	vld [tilespmem:s21+$0x28E0]  }
0x13e: {  	v60 =	vld [tilespmem:s21+$0x28F0]  }
0x13f: {  	v1 =	vimm.f32 $0.0e+00;
	v61 =	vld [tilespmem:s21+$0x2900]  }
0x140: {  	v62 =	vld [tilespmem:s21+$0x2910];
	v0 =	vadd.f32 v0, v1  }
0x141: {  	v63 =	vld [tilespmem:s21+$0x2990];
	v31 =	vadd.f32 v2, v1;
	v29 =	vadd.f32 v3, v1  }
0x142: {  	v2 =	vld [tilespmem:s21+$0x2920];
	v30 =	vadd.f32 v4, v1;
	v27 =	vadd.f32 v5, v1  }
0x143: {  	v3 =	vld [tilespmem:s21+$0x2930];
	v28 =	vadd.f32 v6, v1;
	v25 =	vadd.f32 v7, v1  }
0x144: {  	v4 =	vld [tilespmem:s21+$0x2940];
	v26 =	vadd.f32 v8, v1;
	v23 =	vadd.f32 v9, v1  }
0x145: {  	v5 =	vld [tilespmem:s21+$0x2950];
	v24 =	vadd.f32 v10, v1;
	v21 =	vadd.f32 v11, v1  }
0x146: {  	v6 =	vld [tilespmem:s21+$0x2960];
	v22 =	vadd.f32 v12, v1;
	v19 =	vadd.f32 v13, v1  }
0x147: {  	v7 =	vld [tilespmem:s21+$0x2970];
	v20 =	vadd.f32 v14, v1;
	v17 =	vadd.f32 v15, v1  }
0x148: {  	v8 =	vld [tilespmem:s21+$0x2980];
	v18 =	vadd.f32 v16, v1;
	v15 =	vadd.f32 v60, v1  }
0x149: {  	v16 =	vadd.f32 v61, v1;
	v14 =	vadd.f32 v62, v1  }
0x14a: {  	v33 =	vld [tilespmem:s21+$0x29A0];
	v13 =	vadd.f32 v2, v1;
	v11 =	vadd.f32 v3, v1  }
0x14b: {  	v34 =	vld [tilespmem:s21+$0x29B0];
	v12 =	vadd.f32 v4, v1;
	v9 =	vadd.f32 v5, v1  }
0x14c: {  	v35 =	vld [tilespmem:s21+$0x29C0];
	v10 =	vadd.f32 v6, v1;
	v7 =	vadd.f32 v7, v1  }
0x14d: {  	v32 =	vld [tilespmem:s21+$0x29D0];
	v5 =	vadd.f32 v8, v1;
	v3 =	vadd.f32 v63, v1;
	v6 =	vimm.f32 $0.0e+00  }
0x14e: {  	s20 =	simm.s32 $0x1000;
	s19 =	simm.s32 $0x200;
	v36 =	vld [tilespmem:s21+$0x29E0];
	v8 =	vimm.f32 $0.0e+00;
	v4 =	vimm.f32 $0.0e+00;
	v2 =	vimm.f32 $0.0e+00  }
.LBB2_8:
0x14f: {  	p0 =	sne.s32 s20, $0x9800;
	v37 =	vld [tilespmem:s19+$0x29F0];
	v1 =	vadd.f32 v33, v1  }
0x150: {  	v33 =	vld [tilespmem:s19+$0x2800];
	v6 =	vadd.f32 v34, v6  }
0x151: {  	v34 =	vld [tilespmem:s19+$0x2810];
	v8 =	vadd.f32 v35, v8  }
0x152: {  	v35 =	vld [tilespmem:s19+$0x2820];
	v4 =	vadd.f32 v32, v4  }
0x153: {  	v32 =	vld [tilespmem:s19+$0x2830];
	v2 =	vadd.f32 v36, v2  }
0x154: {  	v36 =	vld [tilespmem:s19+$0x2840];
	v0 =	vadd.f32 v37, v0  }
0x155: {  	v31 =	vadd.f32 v33, v31;
	v33 =	vld [tilespmem:s19+$0x2850]  }
0x156: {  	v29 =	vadd.f32 v34, v29;
	v34 =	vld [tilespmem:s19+$0x2860]  }
0x157: {  	v30 =	vadd.f32 v35, v30;
	v35 =	vld [tilespmem:s19+$0x2870]  }
0x158: {  	v27 =	vadd.f32 v32, v27;
	v32 =	vld [tilespmem:s19+$0x2880]  }
0x159: {  	v28 =	vadd.f32 v36, v28;
	v36 =	vld [tilespmem:s19+$0x2890]  }
0x15a: {  	v25 =	vadd.f32 v33, v25;
	v33 =	vld [tilespmem:s19+$0x28A0]  }
0x15b: {  	v26 =	vadd.f32 v34, v26;
	v34 =	vld [tilespmem:s19+$0x28B0]  }
0x15c: {  	v23 =	vadd.f32 v35, v23;
	v35 =	vld [tilespmem:s19+$0x28C0]  }
0x15d: {  	v24 =	vadd.f32 v32, v24;
	v32 =	vld [tilespmem:s19+$0x28D0]  }
0x15e: {  	v21 =	vadd.f32 v36, v21;
	v36 =	vld [tilespmem:s19+$0x28E0]  }
0x15f: {  	v22 =	vadd.f32 v33, v22;
	v33 =	vld [tilespmem:s19+$0x28F0]  }
0x160: {  	v19 =	vadd.f32 v34, v19;
	v34 =	vld [tilespmem:s19+$0x2900]  }
0x161: {  	v20 =	vadd.f32 v35, v20;
	v35 =	vld [tilespmem:s19+$0x2910]  }
0x162: {  	v17 =	vadd.f32 v32, v17;
	v32 =	vld [tilespmem:s19+$0x2920]  }
0x163: {  	v18 =	vadd.f32 v36, v18;
	v36 =	vld [tilespmem:s19+$0x2930]  }
0x164: {  	v15 =	vadd.f32 v33, v15;
	v33 =	vld [tilespmem:s19+$0x2940]  }
0x165: {  	v16 =	vadd.f32 v34, v16;
	v34 =	vld [tilespmem:s19+$0x2950]  }
0x166: {  	v14 =	vadd.f32 v35, v14;
	v35 =	vld [tilespmem:s19+$0x2960]  }
0x167: {  	v13 =	vadd.f32 v32, v13;
	v32 =	vld [tilespmem:s19+$0x2970]  }
0x168: {  	v11 =	vadd.f32 v36, v11;
	v36 =	vld [tilespmem:s19+$0x2980]  }
0x169: {  	v12 =	vadd.f32 v33, v12;
	v37 =	vld [tilespmem:s19+$0x2990]  }
.Ltmp3:
0x16a: {  	v9 =	vadd.f32 v34, v9;
	v33 =	vld [tilespmem:s19+$0x29A0];
	(pc) =	sbr.rel @p0 .LBB2_8-.Ltmp3, $4  }
0x16b: {  	v10 =	vadd.f32 v35, v10;
	v34 =	vld [tilespmem:s19+$0x29B0]  }
0x16c: {  	v7 =	vadd.f32 v32, v7;
	v35 =	vld [tilespmem:s19+$0x29C0]  }
0x16d: {  	v5 =	vadd.f32 v36, v5;
	v32 =	vld [tilespmem:s19+$0x29D0]  }
0x16e: {  	v3 =	vadd.f32 v37, v3;
	v36 =	vld [tilespmem:s19+$0x29E0];
	s19 =	sshra.s32 s20, $0x2;
	s20 =	sadd.s32 $0x800, s20  }
0x16f: {  	v37 =	vld [tilespmem:s19+$0x29F0]  }
0x170: {  	v38 =	vld [tilespmem:s19+$0x2800]  }
0x171: {  	v39 =	vld [tilespmem:s19+$0x2810]  }
0x172: {  	v40 =	vld [tilespmem:s19+$0x2820]  }
0x173: {  	v41 =	vld [tilespmem:s19+$0x2830]  }
0x174: {  	v42 =	vld [tilespmem:s19+$0x2840]  }
0x175: {  	v43 =	vld [tilespmem:s19+$0x2850]  }
0x176: {  	v44 =	vld [tilespmem:s19+$0x2860]  }
0x177: {  	v45 =	vld [tilespmem:s19+$0x2870]  }
0x178: {  	v46 =	vld [tilespmem:s19+$0x2880]  }
0x179: {  	v47 =	vld [tilespmem:s19+$0x2890]  }
0x17a: {  	v48 =	vld [tilespmem:s19+$0x28A0]  }
0x17b: {  	v49 =	vld [tilespmem:s19+$0x28B0]  }
0x17c: {  	v50 =	vld [tilespmem:s19+$0x28C0]  }
0x17d: {  	v51 =	vld [tilespmem:s19+$0x28D0]  }
0x17e: {  	v52 =	vld [tilespmem:s19+$0x28E0]  }
0x17f: {  	v53 =	vld [tilespmem:s19+$0x28F0]  }
0x180: {  	v54 =	vld [tilespmem:s19+$0x2900]  }
0x181: {  	v55 =	vld [tilespmem:s19+$0x2910]  }
0x182: {  	v56 =	vld [tilespmem:s19+$0x2920]  }
0x183: {  	[tilespmem:$0x1FFB0] =	vst v37;
	v37 =	vld [tilespmem:s19+$0x29A0]  }
0x184: {  	v57 =	vld [tilespmem:s19+$0x2930]  }
0x185: {  	v58 =	vld [tilespmem:s19+$0x2940]  }
0x186: {  	v59 =	vld [tilespmem:s19+$0x2950]  }
0x187: {  	v60 =	vld [tilespmem:s19+$0x2960]  }
0x188: {  	[tilespmem:$0x1FF80] =	vst v37;
	v37 =	vld [tilespmem:s19+$0x29B0]  }
0x189: {  	v61 =	vld [tilespmem:s19+$0x2970]  }
0x18a: {  	v62 =	vld [tilespmem:s19+$0x2980]  }
0x18b: {  	v63 =	vld [tilespmem:s19+$0x2990]  }
0x18c: {  	v31 =	vadd.f32 v38, v31;
	v38 =	vld [tilespmem:s19+$0x29D0]  }
0x18d: {  	v29 =	vadd.f32 v39, v29;
	v39 =	vld [tilespmem:s19+$0x29E0];
	[tilespmem:$0x1FF90] =	vst v37  }
0x18e: {  	v30 =	vadd.f32 v40, v30;
	v37 =	vld [tilespmem:s19+$0x29C0];
	[tilespmem:$0x5100] =	vst v31  }
0x18f: {  	v27 =	vadd.f32 v41, v27;
	[tilespmem:$0x5110] =	vst v29  }
0x190: {  	v28 =	vadd.f32 v42, v28;
	[tilespmem:$0x5120] =	vst v30  }
0x191: {  	v25 =	vadd.f32 v43, v25;
	[tilespmem:$0x5130] =	vst v27  }
0x192: {  	v26 =	vadd.f32 v44, v26;
	[tilespmem:$0x5140] =	vst v28  }
0x193: {  	v23 =	vadd.f32 v45, v23;
	[tilespmem:$0x5150] =	vst v25  }
0x194: {  	v24 =	vadd.f32 v46, v24;
	[tilespmem:$0x5160] =	vst v26  }
0x195: {  	v21 =	vadd.f32 v47, v21;
	[tilespmem:$0x5170] =	vst v23  }
0x196: {  	v22 =	vadd.f32 v48, v22;
	[tilespmem:$0x5180] =	vst v24  }
0x197: {  	v19 =	vadd.f32 v49, v19;
	[tilespmem:$0x5190] =	vst v21  }
0x198: {  	v20 =	vadd.f32 v50, v20;
	[tilespmem:$0x51A0] =	vst v22  }
0x199: {  	v17 =	vadd.f32 v51, v17;
	[tilespmem:$0x51B0] =	vst v19  }
0x19a: {  	v18 =	vadd.f32 v52, v18;
	[tilespmem:$0x51C0] =	vst v20  }
0x19b: {  	v15 =	vadd.f32 v53, v15;
	[tilespmem:$0x51D0] =	vst v17  }
0x19c: {  	v16 =	vadd.f32 v54, v16;
	[tilespmem:$0x51E0] =	vst v18  }
0x19d: {  	v14 =	vadd.f32 v55, v14;
	[tilespmem:$0x51F0] =	vst v15  }
0x19e: {  	v13 =	vadd.f32 v56, v13;
	[tilespmem:$0x5200] =	vst v16  }
0x19f: {  	v11 =	vadd.f32 v57, v11;
	[tilespmem:$0x5210] =	vst v14  }
0x1a0: {  	v12 =	vadd.f32 v58, v12;
	[tilespmem:$0x5220] =	vst v13  }
0x1a1: {  	v9 =	vadd.f32 v59, v9;
	[tilespmem:$0x5230] =	vst v11  }
0x1a2: {  	v10 =	vadd.f32 v60, v10;
	[tilespmem:$0x5240] =	vst v12  }
0x1a3: {  	v7 =	vadd.f32 v61, v7;
	[tilespmem:$0x5250] =	vst v9  }
0x1a4: {  	v3 =	vadd.f32 v63, v3;
	v63 =	vld [tilespmem:$0x1FFB0];
	[tilespmem:$0x5260] =	vst v10  }
0x1a5: {  	v4 =	vadd.f32 v32, v4;
	v5 =	vadd.f32 v62, v5;
	v59 =	vld [tilespmem:$0x1FF80];
	[tilespmem:$0x5270] =	vst v7  }
0x1a6: {  	v2 =	vadd.f32 v36, v2;
	v60 =	vld [tilespmem:$0x1FF90];
	[tilespmem:$0x1FFA0] =	vst v37  }
0x1a7: {  	v62 =	vadd.f32 v38, v4;
	[tilespmem:$0x5280] =	vst v5;
	v61 =	vld [tilespmem:$0x1FFA0]  }
0x1a8: {  	v1 =	vadd.f32 v33, v1;
	v2 =	vadd.f32 v39, v2;
	[tilespmem:$0x5290] =	vst v3  }
0x1a9: {  	v6 =	vadd.f32 v34, v6;
	v0 =	vadd.f32 v63, v0;
	[tilespmem:$0x52D0] =	vst v62  }
0x1aa: {  	v58 =	vadd.f32 v35, v8;
	[tilespmem:$0x52E0] =	vst v2;
	v1 =	vadd.f32 v59, v1  }
0x1ab: {  	[tilespmem:$0x52F0] =	vst v0;
	v5 =	vadd.f32 v60, v6  }
0x1ac: {  	s18 =	sadd.s32 $0x1, s18;
	[tilespmem:$0x52A0] =	vst v1;
	v3 =	vadd.f32 v61, v58  }
0x1ad: {  	p0 =	sne.s32 s18, s10;
	[tilespmem:$0x52B0] =	vst v5  }
.Ltmp4:
0x1ae: {  	[tilespmem:$0x52C0] =	vst v3;
	(pc) =	sbr.rel @p0 .LBB2_1-.Ltmp4, $4  }
0x1af: {  	[hbm4b:s9+s12] =	stream.strided.scatter [tilespmem:s17], [sflag:$0x2], $0x200, s13, s12, $0x38;
	[tilespmem:$0x5380] =	vst v63  }
0x1b0: {  	_ =	swait.ge [sflag:s16], $0x200  }
0x1b1: {  	[sflag:s16] =	ssyncset.done $0x0  }
0x1b2: {  	[sflag:s16] =	ssyncadd.s32 $0xFFFFFE00  }
0x1b3: {  	_ =	sfence.sel $0x180000  }
0x1b4: {  	[bflag:$0x0] =	sbarrier.arrive $0xFFFF  }
0x1b5: {  	p0 =	sne.s32 s1, $0x0;
	_ =	strace $0x90000047  }
0x1b6: {  	s0 =	sadd.s32 @!p0 $0x100000, s0;
	[bflag:$0x2] =	sbarrier.arrive $0xFFFF  }
0x1b7: {  	[sflag:s0] =	ssyncadd.tile.s32 @!p0 $0x1;
	_ =	shalt  }
.Lfunc_end2:
_tile_overlayer_lowered:
.L_overlay_start_2:
0x1b8: {  	(tag) =	ssettag $0x2  }
0x1b9: {  	s0 =	rddreg [dreg:$0x0];
	s2 =	stileid.u32  }
0x1ba: {  	s1 =	rddreg [dreg:$0x1];
	p0 =	sne.s32 s2, $0x0  }
0x1bb: {  	s3 =	rddreg [dreg:$0x2];
	[bflag:$0x3] =	sbarrier.arrive $0xFFFF;
	s2 =	simm.s32 @!p0 $0x1C02  }
0x1bc: {  	[timem:s3], [sflag:s2] =	dma.local @!p0 [hbm:s0], s1  }
0x1bd: {  	s0 =	simm.s32 @!p0 $0x2  }
0x1be: {  	_ =	swait.ge @!p0 [sflag:s0], s1  }
0x1bf: {  	s1 =	ssub.s32 @!p0 $0x0, s1;
	[sflag:s0] =	ssyncset.done @!p0 $0x0  }
0x1c0: {  	[sflag:s0] =	ssyncadd.s32 @!p0 s1  }
0x1c1: {  	[bflag:$0x3] =	sbarrier.arrive $0xFFFF  }
0x1c2: {  	_ =	shalt  }

</sc_bundles>
